<compile_context>
chip_gen: v7x
topology: tpu7x:2x2x1
jax: 0.10.2.dev20260603
libtpu: 0.0.44.dev20260713+nightly
codegen_flags: <defaults>
</compile_context>

<pallas_src>
import functools

import jax
import jax.numpy as jnp
from jax import lax
from jax.experimental import pallas as pl
from jax.experimental.pallas import tpu as pltpu
from jax.experimental.pallas import tpu_sc as plsc

_X_MIN, _X_MAX, _S = -6.0, 6.0, 241
_INV_STEP = (_S - 1) / (_X_MAX - _X_MIN)

_NC, _NS, _L = 2, 16, 16
_NW = _NC * _NS

_ROWS, _COLS = 1024, 768
_PER_W = _ROWS // _NW * _COLS
_TAB_PAD = 256

_NCH = 2
_CHR = _ROWS // _NW // _NCH
_CH = _CHR * _COLS
_CGRP = _CH // _L
_GPR = _COLS // _L


def _sc_body(x_hbm, ytab_hbm, out_hbm, xb, yb, tab_v, sem_in, sem_out):
    wid = lax.axis_index("s") * _NC + lax.axis_index("c")
    row0 = wid * (_ROWS // _NW)

    def compute(x_v, y_v):
        @plsc.parallel_loop(0, _CGRP, 4, unroll=4)
        def step(i):
            r = i // _GPR
            c = (i % _GPR) * _L
            for g in range(4):
                xs = x_v[r, pl.ds(c + g * _L, _L)]
                v = xs * _INV_STEP + (0.5 - _X_MIN * _INV_STEP)
                v = jnp.minimum(jnp.maximum(v, 0.0), float(_S - 1))
                k = v.astype(jnp.int32)
                y_v[r, pl.ds(c + g * _L, _L)] = plsc.load_gather(tab_v, [k])

    in_cp = pltpu.async_copy(x_hbm.at[pl.ds(row0, _CHR)], xb[0], sem_in)
    pltpu.sync_copy(ytab_hbm, tab_v)
    out_cps = [None] * _NCH
    for ch in range(_NCH):
        buf = ch % 2
        in_cp.wait()
        if ch + 1 < _NCH:
            in_cp = pltpu.async_copy(
                x_hbm.at[pl.ds(row0 + (ch + 1) * _CHR, _CHR)],
                xb[1 - buf], sem_in)
        if ch >= 2:
            out_cps[ch - 2].wait()
        compute(xb[buf], yb[buf])
        out_cps[ch] = pltpu.async_copy(
            yb[buf], out_hbm.at[pl.ds(row0 + ch * _CHR, _CHR)], sem_out)
    for ch in range(max(0, _NCH - 2), _NCH):
        out_cps[ch].wait()


@functools.partial(
    pl.kernel,
    mesh=plsc.VectorSubcoreMesh(core_axis_name="c", subcore_axis_name="s"),
    out_type=jax.ShapeDtypeStruct((_ROWS, _COLS), jnp.float32),
    compiler_params=pltpu.CompilerParams(needs_layout_passes=False),
    scratch_types=[
        [pltpu.VMEM((_CHR, _COLS), jnp.float32)] * 2,
        [pltpu.VMEM((_CHR, _COLS), jnp.float32)] * 2,
        pltpu.VMEM((_TAB_PAD,), jnp.float32),
        pltpu.SemaphoreType.DMA,
        pltpu.SemaphoreType.DMA,
    ],
)
def _ft_relu_sc(x_hbm, ytab_hbm, out_hbm, xb, yb, tab_v, sem_in, sem_out):
    _sc_body(x_hbm, ytab_hbm, out_hbm, xb, yb, tab_v, sem_in, sem_out)


def kernel(x):
    x_values = jnp.linspace(_X_MIN, _X_MAX, _S, dtype=jnp.float32)
    y_values = jnp.maximum(0.0, x_values)
    ytab = jnp.concatenate(
        [y_values, jnp.zeros((_TAB_PAD - _S,), jnp.float32)])
    xr = x.reshape(_ROWS, _COLS).astype(jnp.float32)
    out = _ft_relu_sc(xr, ytab)
    return out.reshape(x.shape)

# --- scband reference (transcript-rebuilt; emitter-appended) ---
"""Pipeline reference for scband-fault-tolerant-re-lu-15109694947575 (READ-ONLY COPY).

The authoritative reference and input builder live on the scoring server;
editing this copy changes nothing except your own understanding.
"""

import jax, jax.numpy as jnp
import numpy as np

# FTReluConfig constants (noiseless inference path: sigma_* = 0, p_syn = 0)
LAMBDAS = jnp.asarray([19.0, 23.0, 29.0, 31.0, 37.0, 41.0, 43.0], dtype=jnp.float32)  # M = 7
X_MIN, X_MAX, S = -6.0, 6.0, 241
CHUNK = 4096


def setup_inputs(seed: int = 0) -> dict:
    key = jax.random.key(seed)
    x = jax.random.normal(key, (4, 256, 768), dtype=jnp.float32)
    return {"x": x}


def _mod1(v):
    return v - jnp.floor(v)


def _nn_decode(phases, table):
    # phases: [C, M], table: [S, M]; circular least-squares nearest codeword
    d = jnp.abs(table[None, :, :] - phases[:, None, :])  # [C, S, M]
    d = jnp.minimum(d, 1.0 - d)
    scores = jnp.sum(d * d, axis=-1)  # [C, S]
    return jnp.argmin(scores, axis=-1)  # [C]


def reference(x):
    lambdas = LAMBDAS
    x_values = jnp.linspace(X_MIN, X_MAX, S, dtype=jnp.float32)  # [S]
    y_values = jnp.maximum(0.0, x_values)  # [S]
    # encoder-side phase codebook: mod1(x_k / lambdas)
    in_table = _mod1(x_values[:, None] / lambdas[None, :])  # [S, M]
    # decoder-side phase codebook: mod1(relu(x_k) / lambdas)
    out_table = _mod1(y_values[:, None] / lambdas[None, :])  # [S, M]

    flat = x.reshape(-1).astype(jnp.float32)
    n = flat.shape[0]
    chunks = flat.reshape(n // CHUNK, CHUNK)

    def process(xc):
        # input encoding: theta = mod1(x / lambdas)
        theta = _mod1(xc[:, None] / lambdas[None, :])  # [C, M]
        # ft architecture (noiseless): decode nearest x_k, apply encoder_map relu,
        # emit output phases mod1(y / lambdas)
        k_in = _nn_decode(theta, in_table)
        y_enc = jnp.maximum(0.0, x_values[k_in])
        out_ph = _mod1(y_enc[:, None] / lambdas[None, :])  # [C, M]
        # _decode_output_scalar: circular discrete least squares over phase_table
        k_out = _nn_decode(out_ph, out_table)
        return y_values[k_out]

    out = jax.lax.map(process, chunks)
    return out.reshape(x.shape).astype(jnp.float32)

if __name__ == "__main__":
    import jax
    _d = setup_inputs()
    print(jax.jit(kernel)(*tuple(_d.values())))

</pallas_src>

<mosaic_0001>
#map = affine_map<(d0, d1) -> (0, 0)>
#map1 = affine_map<(d0, d1) -> (0)>
module attributes {stable_mosaic.version = 14 : i64} {
  func.func @_ft_relu_sc(%arg0: i32, %arg1: i32, %arg2: memref<1024x768xf32, #tpu.memory_space<hbm>>, %arg3: memref<256xf32, #tpu.memory_space<hbm>>, %arg4: memref<1024x768xf32, #tpu.memory_space<hbm>>, %arg5: memref<16x768xf32, #tpu.memory_space<vmem>>, %arg6: memref<16x768xf32, #tpu.memory_space<vmem>>, %arg7: memref<16x768xf32, #tpu.memory_space<vmem>>, %arg8: memref<16x768xf32, #tpu.memory_space<vmem>>, %arg9: memref<256xf32, #tpu.memory_space<vmem>>, %arg10: memref<!tpu.dma_semaphore, #tpu.memory_space<semaphore_mem>>, %arg11: memref<!tpu.dma_semaphore, #tpu.memory_space<semaphore_mem>>) attributes {dimension_semantics = [#tpu.dimension_semantics<core_parallel>, #tpu.dimension_semantics<subcore_parallel>], iteration_bounds = array<i64: 2, 16>, scalar_prefetch = 0 : i64, scratch_operands = 7 : i64, tpu.core_type = #tpu.core_type<sc_vector_subcore>, window_params = [{transform_indices = #map}, {transform_indices = #map1}, {transform_indices = #map}]} {
    %mul3A = arith.constant 2 : i32
    %mul3A_0 = arith.muli %arg1, %mul3A : i32
    %add3A = arith.addi %mul3A_0, %arg0 : i32
    %mul3A_1 = arith.constant 32 : i32
    %mul3A_2 = arith.muli %add3A, %mul3A_1 : i32
    %dma_start3A = arith.constant 0 : i32
    %dma_start3A_3 = tpu.memref_slice %arg2[%mul3A_2, %dma_start3A] : memref<1024x768xf32, #tpu.memory_space<hbm>> -> memref<16x768xf32, #tpu.memory_space<hbm>>
    %dma_start3A_4 = arith.constant 0 : i32
    %dma_start3A_5 = tpu.memref_slice %arg2[%mul3A_2, %dma_start3A_4] : memref<1024x768xf32, #tpu.memory_space<hbm>> -> memref<16x768xf32, #tpu.memory_space<hbm>>
    tpu.enqueue_dma source(%dma_start3A_5 : memref<16x768xf32, #tpu.memory_space<hbm>>) target(%arg5 : memref<16x768xf32, #tpu.memory_space<vmem>>) target_semaphore(%arg10 : memref<!tpu.dma_semaphore, #tpu.memory_space<semaphore_mem>>)
    "tpu.region"() ({
      %run_scoped3A = tpu.sem_alloc : memref<!tpu.dma_semaphore, #tpu.memory_space<semaphore_mem>>
      tpu.enqueue_dma source(%arg3 : memref<256xf32, #tpu.memory_space<hbm>>) target(%arg9 : memref<256xf32, #tpu.memory_space<vmem>>) target_semaphore(%run_scoped3A : memref<!tpu.dma_semaphore, #tpu.memory_space<semaphore_mem>>)
      tpu.wait_dma2 semaphore(%run_scoped3A : memref<!tpu.dma_semaphore, #tpu.memory_space<semaphore_mem>>) src(%arg3 : memref<256xf32, #tpu.memory_space<hbm>>) dst(%arg9 : memref<256xf32, #tpu.memory_space<vmem>>)
      tpu.yield
    }) : () -> ()
    %dma_wait3A = arith.constant 0 : i32
    %dma_wait3A_6 = tpu.memref_slice %arg2[%mul3A_2, %dma_wait3A] : memref<1024x768xf32, #tpu.memory_space<hbm>> -> memref<16x768xf32, #tpu.memory_space<hbm>>
    %dma_wait3A_7 = arith.constant 0 : i32
    %dma_wait3A_8 = tpu.memref_slice %arg2[%mul3A_2, %dma_wait3A_7] : memref<1024x768xf32, #tpu.memory_space<hbm>> -> memref<16x768xf32, #tpu.memory_space<hbm>>
    tpu.wait_dma2 semaphore(%arg10 : memref<!tpu.dma_semaphore, #tpu.memory_space<semaphore_mem>>) src(%dma_wait3A_8 : memref<16x768xf32, #tpu.memory_space<hbm>>) dst(%arg5 : memref<16x768xf32, #tpu.memory_space<vmem>>)
    %add3A_9 = arith.constant 16 : i32
    %add3A_10 = arith.addi %mul3A_2, %add3A_9 : i32
    %dma_start3A_11 = arith.constant 0 : i32
    %dma_start3A_12 = tpu.memref_slice %arg2[%add3A_10, %dma_start3A_11] : memref<1024x768xf32, #tpu.memory_space<hbm>> -> memref<16x768xf32, #tpu.memory_space<hbm>>
    %dma_start3A_13 = arith.constant 0 : i32
    %dma_start3A_14 = tpu.memref_slice %arg2[%add3A_10, %dma_start3A_13] : memref<1024x768xf32, #tpu.memory_space<hbm>> -> memref<16x768xf32, #tpu.memory_space<hbm>>
    tpu.enqueue_dma source(%dma_start3A_14 : memref<16x768xf32, #tpu.memory_space<hbm>>) target(%arg6 : memref<16x768xf32, #tpu.memory_space<vmem>>) target_semaphore(%arg10 : memref<!tpu.dma_semaphore, #tpu.memory_space<semaphore_mem>>)
    %parallel_loop3A = arith.constant 0 : i32
    %parallel_loop3A_15 = arith.constant 768 : i32
    %parallel_loop3A_16 = arith.constant 4 : i32
    scf.for %parallel_loop3A_44 = %parallel_loop3A to %parallel_loop3A_15 step %parallel_loop3A_16  : i32 {
      %parallel_loop3A_45 = arith.constant 48 : i32
      %parallel_loop3A_46 = arith.divsi %parallel_loop3A_44, %parallel_loop3A_45 : i32
      %parallel_loop3A_47 = arith.constant 0 : i32
      %parallel_loop3A_48 = arith.cmpi sgt, %parallel_loop3A_44, %parallel_loop3A_47 : i32
      %parallel_loop3A_49 = arith.extui %parallel_loop3A_48 : i1 to i32
      %parallel_loop3A_50 = arith.constant 0 : i32
      %parallel_loop3A_51 = arith.cmpi slt, %parallel_loop3A_44, %parallel_loop3A_50 : i32
      %parallel_loop3A_52 = arith.extui %parallel_loop3A_51 : i1 to i32
      %parallel_loop3A_53 = arith.subi %parallel_loop3A_49, %parallel_loop3A_52 : i32
      %parallel_loop3A_54 = arith.constant 0 : i32
      %parallel_loop3A_55 = arith.cmpi sgt, %parallel_loop3A_45, %parallel_loop3A_54 : i32
      %parallel_loop3A_56 = arith.extui %parallel_loop3A_55 : i1 to i32
      %parallel_loop3A_57 = arith.constant 0 : i32
      %parallel_loop3A_58 = arith.cmpi slt, %parallel_loop3A_45, %parallel_loop3A_57 : i32
      %parallel_loop3A_59 = arith.extui %parallel_loop3A_58 : i1 to i32
      %parallel_loop3A_60 = arith.subi %parallel_loop3A_56, %parallel_loop3A_59 : i32
      %parallel_loop3A_61 = arith.cmpi ne, %parallel_loop3A_53, %parallel_loop3A_60 : i32
      %parallel_loop3A_62 = arith.remsi %parallel_loop3A_44, %parallel_loop3A_45 : i32
      %parallel_loop3A_63 = arith.constant 0 : i32
      %parallel_loop3A_64 = arith.cmpi ne, %parallel_loop3A_62, %parallel_loop3A_63 : i32
      %parallel_loop3A_65 = arith.andi %parallel_loop3A_61, %parallel_loop3A_64 : i1
      %parallel_loop3A_66 = arith.constant 1 : i32
      %parallel_loop3A_67 = arith.subi %parallel_loop3A_46, %parallel_loop3A_66 : i32
      %parallel_loop3A_68 = arith.select %parallel_loop3A_65, %parallel_loop3A_67, %parallel_loop3A_46 : i32
      %parallel_loop3A_69 = arith.constant 48 : i32
      %parallel_loop3A_70 = arith.constant 0 : i32
      %parallel_loop3A_71 = arith.cmpi eq, %parallel_loop3A_69, %parallel_loop3A_70 : i32
      %parallel_loop3A_72 = arith.constant 1 : i32
      %parallel_loop3A_73 = arith.select %parallel_loop3A_71, %parallel_loop3A_72, %parallel_loop3A_69 : i32
      %parallel_loop3A_74 = arith.remsi %parallel_loop3A_44, %parallel_loop3A_73 : i32
      %parallel_loop3A_75 = arith.constant 0 : i32
      %parallel_loop3A_76 = arith.cmpi ne, %parallel_loop3A_74, %parallel_loop3A_75 : i32
      %parallel_loop3A_77 = arith.constant 0 : i32
      %parallel_loop3A_78 = arith.cmpi slt, %parallel_loop3A_74, %parallel_loop3A_77 : i32
      %parallel_loop3A_79 = arith.constant 0 : i32
      %parallel_loop3A_80 = arith.cmpi slt, %parallel_loop3A_73, %parallel_loop3A_79 : i32
      %parallel_loop3A_81 = arith.xori %parallel_loop3A_78, %parallel_loop3A_80 : i1
      %parallel_loop3A_82 = arith.andi %parallel_loop3A_81, %parallel_loop3A_76 : i1
      %parallel_loop3A_83 = arith.addi %parallel_loop3A_74, %parallel_loop3A_73 : i32
      %parallel_loop3A_84 = arith.select %parallel_loop3A_82, %parallel_loop3A_83, %parallel_loop3A_74 : i32
      %parallel_loop3A_85 = arith.constant 16 : i32
      %parallel_loop3A_86 = arith.muli %parallel_loop3A_84, %parallel_loop3A_85 : i32
      %parallel_loop3A_87 = arith.constant 0 : i32
      %parallel_loop3A_88 = arith.addi %parallel_loop3A_86, %parallel_loop3A_87 : i32
      %parallel_loop3A_89 = arith.index_cast %parallel_loop3A_68 : i32 to index
      %parallel_loop3A_90 = arith.index_cast %parallel_loop3A_88 : i32 to index
      %parallel_loop3A_91 = tpu.vector_load %arg5[%parallel_loop3A_89, %parallel_loop3A_90] {strides = array<i32>} : memref<16x768xf32, #tpu.memory_space<vmem>>, vector<16xf32>,
      %parallel_loop3A_92 = arith.constant 2.000000e+01 : f32
      %parallel_loop3A_93 = vector.broadcast %parallel_loop3A_92 : f32 to vector<16xf32>
      %parallel_loop3A_94 = arith.mulf %parallel_loop3A_91, %parallel_loop3A_93 : vector<16xf32>
      %parallel_loop3A_95 = arith.constant 1.205000e+02 : f32
      %parallel_loop3A_96 = vector.broadcast %parallel_loop3A_95 : f32 to vector<16xf32>
      %parallel_loop3A_97 = arith.addf %parallel_loop3A_94, %parallel_loop3A_96 : vector<16xf32>
      %parallel_loop3A_98 = arith.constant 0.000000e+00 : f32
      %parallel_loop3A_99 = vector.broadcast %parallel_loop3A_98 : f32 to vector<16xf32>
      %parallel_loop3A_100 = arith.maximumf %parallel_loop3A_97, %parallel_loop3A_99 : vector<16xf32>
      %parallel_loop3A_101 = arith.constant 2.400000e+02 : f32
      %parallel_loop3A_102 = vector.broadcast %parallel_loop3A_101 : f32 to vector<16xf32>
      %parallel_loop3A_103 = arith.minimumf %parallel_loop3A_100, %parallel_loop3A_102 : vector<16xf32>
      %parallel_loop3A_104 = arith.fptosi %parallel_loop3A_103 : vector<16xf32> to vector<16xi32>
      %parallel_loop3A_105 = tpu.vector_load_idx %arg9[%parallel_loop3A_104] : memref<256xf32, #tpu.memory_space<vmem>>[vector<16xi32>], vector<16xf32>,
      %parallel_loop3A_106 = arith.constant 0 : i32
      %parallel_loop3A_107 = arith.addi %parallel_loop3A_86, %parallel_loop3A_106 : i32
      %parallel_loop3A_108 = arith.index_cast %parallel_loop3A_68 : i32 to index
      %parallel_loop3A_109 = arith.index_cast %parallel_loop3A_107 : i32 to index
      %parallel_loop3A_110 = tpu.vector_load %arg7[%parallel_loop3A_108, %parallel_loop3A_109] {strides = array<i32>} : memref<16x768xf32, #tpu.memory_space<vmem>>, vector<16xf32>,
      tpu.vector_store %arg7[%parallel_loop3A_108, %parallel_loop3A_109], %parallel_loop3A_105 {strides = array<i32>} : memref<16x768xf32, #tpu.memory_space<vmem>>, vector<16xf32>,
      %parallel_loop3A_111 = arith.constant 16 : i32
      %parallel_loop3A_112 = arith.addi %parallel_loop3A_86, %parallel_loop3A_111 : i32
      %parallel_loop3A_113 = arith.index_cast %parallel_loop3A_68 : i32 to index
      %parallel_loop3A_114 = arith.index_cast %parallel_loop3A_112 : i32 to index
      %parallel_loop3A_115 = tpu.vector_load %arg5[%parallel_loop3A_113, %parallel_loop3A_114] {strides = array<i32>} : memref<16x768xf32, #tpu.memory_space<vmem>>, vector<16xf32>,
      %parallel_loop3A_116 = arith.constant 2.000000e+01 : f32
      %parallel_loop3A_117 = vector.broadcast %parallel_loop3A_116 : f32 to vector<16xf32>
      %parallel_loop3A_118 = arith.mulf %parallel_loop3A_115, %parallel_loop3A_117 : vector<16xf32>
      %parallel_loop3A_119 = arith.constant 1.205000e+02 : f32
      %parallel_loop3A_120 = vector.broadcast %parallel_loop3A_119 : f32 to vector<16xf32>
      %parallel_loop3A_121 = arith.addf %parallel_loop3A_118, %parallel_loop3A_120 : vector<16xf32>
      %parallel_loop3A_122 = arith.constant 0.000000e+00 : f32
      %parallel_loop3A_123 = vector.broadcast %parallel_loop3A_122 : f32 to vector<16xf32>
      %parallel_loop3A_124 = arith.maximumf %parallel_loop3A_121, %parallel_loop3A_123 : vector<16xf32>
      %parallel_loop3A_125 = arith.constant 2.400000e+02 : f32
      %parallel_loop3A_126 = vector.broadcast %parallel_loop3A_125 : f32 to vector<16xf32>
      %parallel_loop3A_127 = arith.minimumf %parallel_loop3A_124, %parallel_loop3A_126 : vector<16xf32>
      %parallel_loop3A_128 = arith.fptosi %parallel_loop3A_127 : vector<16xf32> to vector<16xi32>
      %parallel_loop3A_129 = tpu.vector_load_idx %arg9[%parallel_loop3A_128] : memref<256xf32, #tpu.memory_space<vmem>>[vector<16xi32>], vector<16xf32>,
      %parallel_loop3A_130 = arith.constant 16 : i32
      %parallel_loop3A_131 = arith.addi %parallel_loop3A_86, %parallel_loop3A_130 : i32
      %parallel_loop3A_132 = arith.index_cast %parallel_loop3A_68 : i32 to index
      %parallel_loop3A_133 = arith.index_cast %parallel_loop3A_131 : i32 to index
      %parallel_loop3A_134 = tpu.vector_load %arg7[%parallel_loop3A_132, %parallel_loop3A_133] {strides = array<i32>} : memref<16x768xf32, #tpu.memory_space<vmem>>, vector<16xf32>,
      tpu.vector_store %arg7[%parallel_loop3A_132, %parallel_loop3A_133], %parallel_loop3A_129 {strides = array<i32>} : memref<16x768xf32, #tpu.memory_space<vmem>>, vector<16xf32>,
      %parallel_loop3A_135 = arith.constant 32 : i32
      %parallel_loop3A_136 = arith.addi %parallel_loop3A_86, %parallel_loop3A_135 : i32
      %parallel_loop3A_137 = arith.index_cast %parallel_loop3A_68 : i32 to index
      %parallel_loop3A_138 = arith.index_cast %parallel_loop3A_136 : i32 to index
      %parallel_loop3A_139 = tpu.vector_load %arg5[%parallel_loop3A_137, %parallel_loop3A_138] {strides = array<i32>} : memref<16x768xf32, #tpu.memory_space<vmem>>, vector<16xf32>,
      %parallel_loop3A_140 = arith.constant 2.000000e+01 : f32
      %parallel_loop3A_141 = vector.broadcast %parallel_loop3A_140 : f32 to vector<16xf32>
      %parallel_loop3A_142 = arith.mulf %parallel_loop3A_139, %parallel_loop3A_141 : vector<16xf32>
      %parallel_loop3A_143 = arith.constant 1.205000e+02 : f32
      %parallel_loop3A_144 = vector.broadcast %parallel_loop3A_143 : f32 to vector<16xf32>
      %parallel_loop3A_145 = arith.addf %parallel_loop3A_142, %parallel_loop3A_144 : vector<16xf32>
      %parallel_loop3A_146 = arith.constant 0.000000e+00 : f32
      %parallel_loop3A_147 = vector.broadcast %parallel_loop3A_146 : f32 to vector<16xf32>
      %parallel_loop3A_148 = arith.maximumf %parallel_loop3A_145, %parallel_loop3A_147 : vector<16xf32>
      %parallel_loop3A_149 = arith.constant 2.400000e+02 : f32
      %parallel_loop3A_150 = vector.broadcast %parallel_loop3A_149 : f32 to vector<16xf32>
      %parallel_loop3A_151 = arith.minimumf %parallel_loop3A_148, %parallel_loop3A_150 : vector<16xf32>
      %parallel_loop3A_152 = arith.fptosi %parallel_loop3A_151 : vector<16xf32> to vector<16xi32>
      %parallel_loop3A_153 = tpu.vector_load_idx %arg9[%parallel_loop3A_152] : memref<256xf32, #tpu.memory_space<vmem>>[vector<16xi32>], vector<16xf32>,
      %parallel_loop3A_154 = arith.constant 32 : i32
      %parallel_loop3A_155 = arith.addi %parallel_loop3A_86, %parallel_loop3A_154 : i32
      %parallel_loop3A_156 = arith.index_cast %parallel_loop3A_68 : i32 to index
      %parallel_loop3A_157 = arith.index_cast %parallel_loop3A_155 : i32 to index
      %parallel_loop3A_158 = tpu.vector_load %arg7[%parallel_loop3A_156, %parallel_loop3A_157] {strides = array<i32>} : memref<16x768xf32, #tpu.memory_space<vmem>>, vector<16xf32>,
      tpu.vector_store %arg7[%parallel_loop3A_156, %parallel_loop3A_157], %parallel_loop3A_153 {strides = array<i32>} : memref<16x768xf32, #tpu.memory_space<vmem>>, vector<16xf32>,
      %parallel_loop3A_159 = arith.constant 48 : i32
      %parallel_loop3A_160 = arith.addi %parallel_loop3A_86, %parallel_loop3A_159 : i32
      %parallel_loop3A_161 = arith.index_cast %parallel_loop3A_68 : i32 to index
      %parallel_loop3A_162 = arith.index_cast %parallel_loop3A_160 : i32 to index
      %parallel_loop3A_163 = tpu.vector_load %arg5[%parallel_loop3A_161, %parallel_loop3A_162] {strides = array<i32>} : memref<16x768xf32, #tpu.memory_space<vmem>>, vector<16xf32>,
      %parallel_loop3A_164 = arith.constant 2.000000e+01 : f32
      %parallel_loop3A_165 = vector.broadcast %parallel_loop3A_164 : f32 to vector<16xf32>
      %parallel_loop3A_166 = arith.mulf %parallel_loop3A_163, %parallel_loop3A_165 : vector<16xf32>
      %parallel_loop3A_167 = arith.constant 1.205000e+02 : f32
      %parallel_loop3A_168 = vector.broadcast %parallel_loop3A_167 : f32 to vector<16xf32>
      %parallel_loop3A_169 = arith.addf %parallel_loop3A_166, %parallel_loop3A_168 : vector<16xf32>
      %parallel_loop3A_170 = arith.constant 0.000000e+00 : f32
      %parallel_loop3A_171 = vector.broadcast %parallel_loop3A_170 : f32 to vector<16xf32>
      %parallel_loop3A_172 = arith.maximumf %parallel_loop3A_169, %parallel_loop3A_171 : vector<16xf32>
      %parallel_loop3A_173 = arith.constant 2.400000e+02 : f32
      %parallel_loop3A_174 = vector.broadcast %parallel_loop3A_173 : f32 to vector<16xf32>
      %parallel_loop3A_175 = arith.minimumf %parallel_loop3A_172, %parallel_loop3A_174 : vector<16xf32>
      %parallel_loop3A_176 = arith.fptosi %parallel_loop3A_175 : vector<16xf32> to vector<16xi32>
      %parallel_loop3A_177 = tpu.vector_load_idx %arg9[%parallel_loop3A_176] : memref<256xf32, #tpu.memory_space<vmem>>[vector<16xi32>], vector<16xf32>,
      %parallel_loop3A_178 = arith.constant 48 : i32
      %parallel_loop3A_179 = arith.addi %parallel_loop3A_86, %parallel_loop3A_178 : i32
      %parallel_loop3A_180 = arith.index_cast %parallel_loop3A_68 : i32 to index
      %parallel_loop3A_181 = arith.index_cast %parallel_loop3A_179 : i32 to index
      %parallel_loop3A_182 = tpu.vector_load %arg7[%parallel_loop3A_180, %parallel_loop3A_181] {strides = array<i32>} : memref<16x768xf32, #tpu.memory_space<vmem>>, vector<16xf32>,
      tpu.vector_store %arg7[%parallel_loop3A_180, %parallel_loop3A_181], %parallel_loop3A_177 {strides = array<i32>} : memref<16x768xf32, #tpu.memory_space<vmem>>, vector<16xf32>,
    } {sc.loop_unroll_factor = 4 : i64, sc.parallel_access}
    %add3A_17 = arith.constant 0 : i32
    %add3A_18 = arith.addi %mul3A_2, %add3A_17 : i32
    %dma_start3A_19 = arith.constant 0 : i32
    %dma_start3A_20 = tpu.memref_slice %arg4[%add3A_18, %dma_start3A_19] : memref<1024x768xf32, #tpu.memory_space<hbm>> -> memref<16x768xf32, #tpu.memory_space<hbm>>
    %dma_start3A_21 = arith.constant 0 : i32
    %dma_start3A_22 = tpu.memref_slice %arg4[%add3A_18, %dma_start3A_21] : memref<1024x768xf32, #tpu.memory_space<hbm>> -> memref<16x768xf32, #tpu.memory_space<hbm>>
    tpu.enqueue_dma source(%arg7 : memref<16x768xf32, #tpu.memory_space<vmem>>) target(%dma_start3A_22 : memref<16x768xf32, #tpu.memory_space<hbm>>) target_semaphore(%arg11 : memref<!tpu.dma_semaphore, #tpu.memory_space<semaphore_mem>>)
    %dma_wait3A_23 = arith.constant 0 : i32
    %dma_wait3A_24 = tpu.memref_slice %arg2[%add3A_10, %dma_wait3A_23] : memref<1024x768xf32, #tpu.memory_space<hbm>> -> memref<16x768xf32, #tpu.memory_space<hbm>>
    %dma_wait3A_25 = arith.constant 0 : i32
    %dma_wait3A_26 = tpu.memref_slice %arg2[%add3A_10, %dma_wait3A_25] : memref<1024x768xf32, #tpu.memory_space<hbm>> -> memref<16x768xf32, #tpu.memory_space<hbm>>
    tpu.wait_dma2 semaphore(%arg10 : memref<!tpu.dma_semaphore, #tpu.memory_space<semaphore_mem>>) src(%dma_wait3A_26 : memref<16x768xf32, #tpu.memory_space<hbm>>) dst(%arg6 : memref<16x768xf32, #tpu.memory_space<vmem>>)
    %parallel_loop3A_27 = arith.constant 0 : i32
    %parallel_loop3A_28 = arith.constant 768 : i32
    %parallel_loop3A_29 = arith.constant 4 : i32
    scf.for %parallel_loop3A_44 = %parallel_loop3A_27 to %parallel_loop3A_28 step %parallel_loop3A_29  : i32 {
      %parallel_loop3A_45 = arith.constant 48 : i32
      %parallel_loop3A_46 = arith.divsi %parallel_loop3A_44, %parallel_loop3A_45 : i32
      %parallel_loop3A_47 = arith.constant 0 : i32
      %parallel_loop3A_48 = arith.cmpi sgt, %parallel_loop3A_44, %parallel_loop3A_47 : i32
      %parallel_loop3A_49 = arith.extui %parallel_loop3A_48 : i1 to i32
      %parallel_loop3A_50 = arith.constant 0 : i32
      %parallel_loop3A_51 = arith.cmpi slt, %parallel_loop3A_44, %parallel_loop3A_50 : i32
      %parallel_loop3A_52 = arith.extui %parallel_loop3A_51 : i1 to i32
      %parallel_loop3A_53 = arith.subi %parallel_loop3A_49, %parallel_loop3A_52 : i32
      %parallel_loop3A_54 = arith.constant 0 : i32
      %parallel_loop3A_55 = arith.cmpi sgt, %parallel_loop3A_45, %parallel_loop3A_54 : i32
      %parallel_loop3A_56 = arith.extui %parallel_loop3A_55 : i1 to i32
      %parallel_loop3A_57 = arith.constant 0 : i32
      %parallel_loop3A_58 = arith.cmpi slt, %parallel_loop3A_45, %parallel_loop3A_57 : i32
      %parallel_loop3A_59 = arith.extui %parallel_loop3A_58 : i1 to i32
      %parallel_loop3A_60 = arith.subi %parallel_loop3A_56, %parallel_loop3A_59 : i32
      %parallel_loop3A_61 = arith.cmpi ne, %parallel_loop3A_53, %parallel_loop3A_60 : i32
      %parallel_loop3A_62 = arith.remsi %parallel_loop3A_44, %parallel_loop3A_45 : i32
      %parallel_loop3A_63 = arith.constant 0 : i32
      %parallel_loop3A_64 = arith.cmpi ne, %parallel_loop3A_62, %parallel_loop3A_63 : i32
      %parallel_loop3A_65 = arith.andi %parallel_loop3A_61, %parallel_loop3A_64 : i1
      %parallel_loop3A_66 = arith.constant 1 : i32
      %parallel_loop3A_67 = arith.subi %parallel_loop3A_46, %parallel_loop3A_66 : i32
      %parallel_loop3A_68 = arith.select %parallel_loop3A_65, %parallel_loop3A_67, %parallel_loop3A_46 : i32
      %parallel_loop3A_69 = arith.constant 48 : i32
      %parallel_loop3A_70 = arith.constant 0 : i32
      %parallel_loop3A_71 = arith.cmpi eq, %parallel_loop3A_69, %parallel_loop3A_70 : i32
      %parallel_loop3A_72 = arith.constant 1 : i32
      %parallel_loop3A_73 = arith.select %parallel_loop3A_71, %parallel_loop3A_72, %parallel_loop3A_69 : i32
      %parallel_loop3A_74 = arith.remsi %parallel_loop3A_44, %parallel_loop3A_73 : i32
      %parallel_loop3A_75 = arith.constant 0 : i32
      %parallel_loop3A_76 = arith.cmpi ne, %parallel_loop3A_74, %parallel_loop3A_75 : i32
      %parallel_loop3A_77 = arith.constant 0 : i32
      %parallel_loop3A_78 = arith.cmpi slt, %parallel_loop3A_74, %parallel_loop3A_77 : i32
      %parallel_loop3A_79 = arith.constant 0 : i32
      %parallel_loop3A_80 = arith.cmpi slt, %parallel_loop3A_73, %parallel_loop3A_79 : i32
      %parallel_loop3A_81 = arith.xori %parallel_loop3A_78, %parallel_loop3A_80 : i1
      %parallel_loop3A_82 = arith.andi %parallel_loop3A_81, %parallel_loop3A_76 : i1
      %parallel_loop3A_83 = arith.addi %parallel_loop3A_74, %parallel_loop3A_73 : i32
      %parallel_loop3A_84 = arith.select %parallel_loop3A_82, %parallel_loop3A_83, %parallel_loop3A_74 : i32
      %parallel_loop3A_85 = arith.constant 16 : i32
      %parallel_loop3A_86 = arith.muli %parallel_loop3A_84, %parallel_loop3A_85 : i32
      %parallel_loop3A_87 = arith.constant 0 : i32
      %parallel_loop3A_88 = arith.addi %parallel_loop3A_86, %parallel_loop3A_87 : i32
      %parallel_loop3A_89 = arith.index_cast %parallel_loop3A_68 : i32 to index
      %parallel_loop3A_90 = arith.index_cast %parallel_loop3A_88 : i32 to index
      %parallel_loop3A_91 = tpu.vector_load %arg6[%parallel_loop3A_89, %parallel_loop3A_90] {strides = array<i32>} : memref<16x768xf32, #tpu.memory_space<vmem>>, vector<16xf32>,
      %parallel_loop3A_92 = arith.constant 2.000000e+01 : f32
      %parallel_loop3A_93 = vector.broadcast %parallel_loop3A_92 : f32 to vector<16xf32>
      %parallel_loop3A_94 = arith.mulf %parallel_loop3A_91, %parallel_loop3A_93 : vector<16xf32>
      %parallel_loop3A_95 = arith.constant 1.205000e+02 : f32
      %parallel_loop3A_96 = vector.broadcast %parallel_loop3A_95 : f32 to vector<16xf32>
      %parallel_loop3A_97 = arith.addf %parallel_loop3A_94, %parallel_loop3A_96 : vector<16xf32>
      %parallel_loop3A_98 = arith.constant 0.000000e+00 : f32
      %parallel_loop3A_99 = vector.broadcast %parallel_loop3A_98 : f32 to vector<16xf32>
      %parallel_loop3A_100 = arith.maximumf %parallel_loop3A_97, %parallel_loop3A_99 : vector<16xf32>
      %parallel_loop3A_101 = arith.constant 2.400000e+02 : f32
      %parallel_loop3A_102 = vector.broadcast %parallel_loop3A_101 : f32 to vector<16xf32>
      %parallel_loop3A_103 = arith.minimumf %parallel_loop3A_100, %parallel_loop3A_102 : vector<16xf32>
      %parallel_loop3A_104 = arith.fptosi %parallel_loop3A_103 : vector<16xf32> to vector<16xi32>
      %parallel_loop3A_105 = tpu.vector_load_idx %arg9[%parallel_loop3A_104] : memref<256xf32, #tpu.memory_space<vmem>>[vector<16xi32>], vector<16xf32>,
      %parallel_loop3A_106 = arith.constant 0 : i32
      %parallel_loop3A_107 = arith.addi %parallel_loop3A_86, %parallel_loop3A_106 : i32
      %parallel_loop3A_108 = arith.index_cast %parallel_loop3A_68 : i32 to index
      %parallel_loop3A_109 = arith.index_cast %parallel_loop3A_107 : i32 to index
      %parallel_loop3A_110 = tpu.vector_load %arg8[%parallel_loop3A_108, %parallel_loop3A_109] {strides = array<i32>} : memref<16x768xf32, #tpu.memory_space<vmem>>, vector<16xf32>,
      tpu.vector_store %arg8[%parallel_loop3A_108, %parallel_loop3A_109], %parallel_loop3A_105 {strides = array<i32>} : memref<16x768xf32, #tpu.memory_space<vmem>>, vector<16xf32>,
      %parallel_loop3A_111 = arith.constant 16 : i32
      %parallel_loop3A_112 = arith.addi %parallel_loop3A_86, %parallel_loop3A_111 : i32
      %parallel_loop3A_113 = arith.index_cast %parallel_loop3A_68 : i32 to index
      %parallel_loop3A_114 = arith.index_cast %parallel_loop3A_112 : i32 to index
      %parallel_loop3A_115 = tpu.vector_load %arg6[%parallel_loop3A_113, %parallel_loop3A_114] {strides = array<i32>} : memref<16x768xf32, #tpu.memory_space<vmem>>, vector<16xf32>,
      %parallel_loop3A_116 = arith.constant 2.000000e+01 : f32
      %parallel_loop3A_117 = vector.broadcast %parallel_loop3A_116 : f32 to vector<16xf32>
      %parallel_loop3A_118 = arith.mulf %parallel_loop3A_115, %parallel_loop3A_117 : vector<16xf32>
      %parallel_loop3A_119 = arith.constant 1.205000e+02 : f32
      %parallel_loop3A_120 = vector.broadcast %parallel_loop3A_119 : f32 to vector<16xf32>
      %parallel_loop3A_121 = arith.addf %parallel_loop3A_118, %parallel_loop3A_120 : vector<16xf32>
      %parallel_loop3A_122 = arith.constant 0.000000e+00 : f32
      %parallel_loop3A_123 = vector.broadcast %parallel_loop3A_122 : f32 to vector<16xf32>
      %parallel_loop3A_124 = arith.maximumf %parallel_loop3A_121, %parallel_loop3A_123 : vector<16xf32>
      %parallel_loop3A_125 = arith.constant 2.400000e+02 : f32
      %parallel_loop3A_126 = vector.broadcast %parallel_loop3A_125 : f32 to vector<16xf32>
      %parallel_loop3A_127 = arith.minimumf %parallel_loop3A_124, %parallel_loop3A_126 : vector<16xf32>
      %parallel_loop3A_128 = arith.fptosi %parallel_loop3A_127 : vector<16xf32> to vector<16xi32>
      %parallel_loop3A_129 = tpu.vector_load_idx %arg9[%parallel_loop3A_128] : memref<256xf32, #tpu.memory_space<vmem>>[vector<16xi32>], vector<16xf32>,
      %parallel_loop3A_130 = arith.constant 16 : i32
      %parallel_loop3A_131 = arith.addi %parallel_loop3A_86, %parallel_loop3A_130 : i32
      %parallel_loop3A_132 = arith.index_cast %parallel_loop3A_68 : i32 to index
      %parallel_loop3A_133 = arith.index_cast %parallel_loop3A_131 : i32 to index
      %parallel_loop3A_134 = tpu.vector_load %arg8[%parallel_loop3A_132, %parallel_loop3A_133] {strides = array<i32>} : memref<16x768xf32, #tpu.memory_space<vmem>>, vector<16xf32>,
      tpu.vector_store %arg8[%parallel_loop3A_132, %parallel_loop3A_133], %parallel_loop3A_129 {strides = array<i32>} : memref<16x768xf32, #tpu.memory_space<vmem>>, vector<16xf32>,
      %parallel_loop3A_135 = arith.constant 32 : i32
      %parallel_loop3A_136 = arith.addi %parallel_loop3A_86, %parallel_loop3A_135 : i32
      %parallel_loop3A_137 = arith.index_cast %parallel_loop3A_68 : i32 to index
      %parallel_loop3A_138 = arith.index_cast %parallel_loop3A_136 : i32 to index
      %parallel_loop3A_139 = tpu.vector_load %arg6[%parallel_loop3A_137, %parallel_loop3A_138] {strides = array<i32>} : memref<16x768xf32, #tpu.memory_space<vmem>>, vector<16xf32>,
      %parallel_loop3A_140 = arith.constant 2.000000e+01 : f32
      %parallel_loop3A_141 = vector.broadcast %parallel_loop3A_140 : f32 to vector<16xf32>
      %parallel_loop3A_142 = arith.mulf %parallel_loop3A_139, %parallel_loop3A_141 : vector<16xf32>
      %parallel_loop3A_143 = arith.constant 1.205000e+02 : f32
      %parallel_loop3A_144 = vector.broadcast %parallel_loop3A_143 : f32 to vector<16xf32>
      %parallel_loop3A_145 = arith.addf %parallel_loop3A_142, %parallel_loop3A_144 : vector<16xf32>
      %parallel_loop3A_146 = arith.constant 0.000000e+00 : f32
      %parallel_loop3A_147 = vector.broadcast %parallel_loop3A_146 : f32 to vector<16xf32>
      %parallel_loop3A_148 = arith.maximumf %parallel_loop3A_145, %parallel_loop3A_147 : vector<16xf32>
      %parallel_loop3A_149 = arith.constant 2.400000e+02 : f32
      %parallel_loop3A_150 = vector.broadcast %parallel_loop3A_149 : f32 to vector<16xf32>
      %parallel_loop3A_151 = arith.minimumf %parallel_loop3A_148, %parallel_loop3A_150 : vector<16xf32>
      %parallel_loop3A_152 = arith.fptosi %parallel_loop3A_151 : vector<16xf32> to vector<16xi32>
      %parallel_loop3A_153 = tpu.vector_load_idx %arg9[%parallel_loop3A_152] : memref<256xf32, #tpu.memory_space<vmem>>[vector<16xi32>], vector<16xf32>,
      %parallel_loop3A_154 = arith.constant 32 : i32
      %parallel_loop3A_155 = arith.addi %parallel_loop3A_86, %parallel_loop3A_154 : i32
      %parallel_loop3A_156 = arith.index_cast %parallel_loop3A_68 : i32 to index
      %parallel_loop3A_157 = arith.index_cast %parallel_loop3A_155 : i32 to index
      %parallel_loop3A_158 = tpu.vector_load %arg8[%parallel_loop3A_156, %parallel_loop3A_157] {strides = array<i32>} : memref<16x768xf32, #tpu.memory_space<vmem>>, vector<16xf32>,
      tpu.vector_store %arg8[%parallel_loop3A_156, %parallel_loop3A_157], %parallel_loop3A_153 {strides = array<i32>} : memref<16x768xf32, #tpu.memory_space<vmem>>, vector<16xf32>,
      %parallel_loop3A_159 = arith.constant 48 : i32
      %parallel_loop3A_160 = arith.addi %parallel_loop3A_86, %parallel_loop3A_159 : i32
      %parallel_loop3A_161 = arith.index_cast %parallel_loop3A_68 : i32 to index
      %parallel_loop3A_162 = arith.index_cast %parallel_loop3A_160 : i32 to index
      %parallel_loop3A_163 = tpu.vector_load %arg6[%parallel_loop3A_161, %parallel_loop3A_162] {strides = array<i32>} : memref<16x768xf32, #tpu.memory_space<vmem>>, vector<16xf32>,
      %parallel_loop3A_164 = arith.constant 2.000000e+01 : f32
      %parallel_loop3A_165 = vector.broadcast %parallel_loop3A_164 : f32 to vector<16xf32>
      %parallel_loop3A_166 = arith.mulf %parallel_loop3A_163, %parallel_loop3A_165 : vector<16xf32>
      %parallel_loop3A_167 = arith.constant 1.205000e+02 : f32
      %parallel_loop3A_168 = vector.broadcast %parallel_loop3A_167 : f32 to vector<16xf32>
      %parallel_loop3A_169 = arith.addf %parallel_loop3A_166, %parallel_loop3A_168 : vector<16xf32>
      %parallel_loop3A_170 = arith.constant 0.000000e+00 : f32
      %parallel_loop3A_171 = vector.broadcast %parallel_loop3A_170 : f32 to vector<16xf32>
      %parallel_loop3A_172 = arith.maximumf %parallel_loop3A_169, %parallel_loop3A_171 : vector<16xf32>
      %parallel_loop3A_173 = arith.constant 2.400000e+02 : f32
      %parallel_loop3A_174 = vector.broadcast %parallel_loop3A_173 : f32 to vector<16xf32>
      %parallel_loop3A_175 = arith.minimumf %parallel_loop3A_172, %parallel_loop3A_174 : vector<16xf32>
      %parallel_loop3A_176 = arith.fptosi %parallel_loop3A_175 : vector<16xf32> to vector<16xi32>
      %parallel_loop3A_177 = tpu.vector_load_idx %arg9[%parallel_loop3A_176] : memref<256xf32, #tpu.memory_space<vmem>>[vector<16xi32>], vector<16xf32>,
      %parallel_loop3A_178 = arith.constant 48 : i32
      %parallel_loop3A_179 = arith.addi %parallel_loop3A_86, %parallel_loop3A_178 : i32
      %parallel_loop3A_180 = arith.index_cast %parallel_loop3A_68 : i32 to index
      %parallel_loop3A_181 = arith.index_cast %parallel_loop3A_179 : i32 to index
      %parallel_loop3A_182 = tpu.vector_load %arg8[%parallel_loop3A_180, %parallel_loop3A_181] {strides = array<i32>} : memref<16x768xf32, #tpu.memory_space<vmem>>, vector<16xf32>,
      tpu.vector_store %arg8[%parallel_loop3A_180, %parallel_loop3A_181], %parallel_loop3A_177 {strides = array<i32>} : memref<16x768xf32, #tpu.memory_space<vmem>>, vector<16xf32>,
    } {sc.loop_unroll_factor = 4 : i64, sc.parallel_access}
    %add3A_30 = arith.constant 16 : i32
    %add3A_31 = arith.addi %mul3A_2, %add3A_30 : i32
    %dma_start3A_32 = arith.constant 0 : i32
    %dma_start3A_33 = tpu.memref_slice %arg4[%add3A_31, %dma_start3A_32] : memref<1024x768xf32, #tpu.memory_space<hbm>> -> memref<16x768xf32, #tpu.memory_space<hbm>>
    %dma_start3A_34 = arith.constant 0 : i32
    %dma_start3A_35 = tpu.memref_slice %arg4[%add3A_31, %dma_start3A_34] : memref<1024x768xf32, #tpu.memory_space<hbm>> -> memref<16x768xf32, #tpu.memory_space<hbm>>
    tpu.enqueue_dma source(%arg8 : memref<16x768xf32, #tpu.memory_space<vmem>>) target(%dma_start3A_35 : memref<16x768xf32, #tpu.memory_space<hbm>>) target_semaphore(%arg11 : memref<!tpu.dma_semaphore, #tpu.memory_space<semaphore_mem>>)
    %dma_wait3A_36 = arith.constant 0 : i32
    %dma_wait3A_37 = tpu.memref_slice %arg4[%add3A_18, %dma_wait3A_36] : memref<1024x768xf32, #tpu.memory_space<hbm>> -> memref<16x768xf32, #tpu.memory_space<hbm>>
    %dma_wait3A_38 = arith.constant 0 : i32
    %dma_wait3A_39 = tpu.memref_slice %arg4[%add3A_18, %dma_wait3A_38] : memref<1024x768xf32, #tpu.memory_space<hbm>> -> memref<16x768xf32, #tpu.memory_space<hbm>>
    tpu.wait_dma2 semaphore(%arg11 : memref<!tpu.dma_semaphore, #tpu.memory_space<semaphore_mem>>) src(%arg7 : memref<16x768xf32, #tpu.memory_space<vmem>>) dst(%dma_wait3A_39 : memref<16x768xf32, #tpu.memory_space<hbm>>)
    %dma_wait3A_40 = arith.constant 0 : i32
    %dma_wait3A_41 = tpu.memref_slice %arg4[%add3A_31, %dma_wait3A_40] : memref<1024x768xf32, #tpu.memory_space<hbm>> -> memref<16x768xf32, #tpu.memory_space<hbm>>
    %dma_wait3A_42 = arith.constant 0 : i32
    %dma_wait3A_43 = tpu.memref_slice %arg4[%add3A_31, %dma_wait3A_42] : memref<1024x768xf32, #tpu.memory_space<hbm>> -> memref<16x768xf32, #tpu.memory_space<hbm>>
    tpu.wait_dma2 semaphore(%arg11 : memref<!tpu.dma_semaphore, #tpu.memory_space<semaphore_mem>>) src(%arg8 : memref<16x768xf32, #tpu.memory_space<vmem>>) dst(%dma_wait3A_43 : memref<16x768xf32, #tpu.memory_space<hbm>>)
    return
  }
}

</mosaic_0001>

<sc_bundles>
// kernel: kernel.3.cloned.1.call-start
scs
__scs_entry_jumppad:
0x0: {  	(pc) =	sbr.rel $0x88, $3  }
0x1: {  	(tag) =	ssettag $0x0;
	lr =	simm.s32 $0x1  }
0x2: {  	[smem:$0x3FA0] =	sst lr;
	_ =	strace $0xD0000000  }
0x3: {  	_ = 	snop  }
0x4: {  	_ = 	snop  }
0x5: {  	_ = 	snop  }
0x6: {  	_ = 	snop  }
0x7: {  	_ = 	snop  }
__scs_overlays_trampoline_lowered:
0x8: {  	[smem:$0x3FAF] =	sst s0  }
0x9: {  	[smem:$0x3FB0] =	sst s1  }
0xa: {  	[smem:$0x3FB1] =	sst s2  }
0xb: {  	[smem:$0x3FB2] =	sst s3  }
0xc: {  	[smem:$0x3FB3] =	sst s4  }
0xd: {  	[smem:$0x3FB4] =	sst s5  }
0xe: {  	[smem:$0x3FB5] =	sst s6  }
0xf: {  	[smem:$0x3FB6] =	sst s7  }
0x10: {  	[smem:$0x3FB7] =	sst s8  }
0x11: {  	[smem:$0x3FB8] =	sst s9;
	s0 =	simm.s32 @!p0 $0x0  }
0x12: {  	s1 =	sld [smem:$0x3F9E];
	s0 =	simm.s32 @p0 $0x1  }
0x13: {  	[smem:$0x3FB9] =	sst s0;
	s0 =	simm.s32 @!p1 $0x0  }
0x14: {  	s2 =	sld [smem:$0x3F9D];
	s0 =	simm.s32 @p1 $0x1  }
0x15: {  	[smem:$0x3FBA] =	sst s0;
	s0 =	simm.s32 @!p2 $0x0  }
0x16: {  	s3 =	sld [smem:$0x3FDB];
	s0 =	simm.s32 @p2 $0x1  }
0x17: {  	s4 =	simm.s32 $0x1BF5;
	[smem:$0x3FBC] =	sst s0  }
0x18: {  	s0 =	sld [smem:$0x3F9F];
	_ =	swait.ge [sflag:s4], $0x0  }
0x19: {  	s7 =	sld [smem:$0x3FA0]  }
0x1a: {  	s8 =	sadd.s32 $0xFFFFE003, lr  }
0x1b: {  	s9 =	sadd.s32 $0xFFFFFEF7, lr;
	s5 =	simm.s32 $0xFFFFFFFF;
	p2 =	slt.u32 s8, $0xFFFFF086  }
0x1c: {  	p1 =	slt.u32 s9, $0xF7A;
	s5 =	simm.s32 @!p2 $0x0  }
0x1d: {  	s5 =	simm.s32 @p1 $0x1;
	p0 =	seq.s32 s7, s2  }
0x1e: {  	s7 =	smul.u32 @!p0 $0xF7A, s2;
	p2 =	seq.s32 @!p0 s5, $0x0  }
0x1f: {  	s9 =	smul.u32 $0xF7A, s1;
	s8 =	simm.s32 @!p0 $0x1BF5;
	p2 =	por !p2, p0  }
0x20: {  	[sflag:s8] =	ssyncset.s32 @!p0 $0xFFFFF086;
	s6 =	sadd.s32 @!p0 s3, s7;
	s7 =	simm.s32 @!p0 $0x108  }
0x21: {  	s3 =	sadd.s32 s3, s9;
	s6 =	sadd.s32 @!p0 $0x88, s6;
	s7 =	simm.s32 @p2 $0x1082  }
0x22: {  	[simem:s7], [sflag:s8] =	dma.local @!p0 [hbm:s6], $0xF7A  }
0x23: {  	s9 =	sor.u32 $0xD0000000, s2;
	s6 =	simm.s32 $0x108;
	_ =	swait.ge @!p0 [sflag:s8], $0x0  }
0x24: {  	s3 =	sadd.s32 $0x88, s3;
	s6 =	simm.s32 @!p1 $0x1082;
	[sflag:s4] =	ssyncset.s32 $0xFFFFF086  }
0x25: {  	[simem:s6], [sflag:s4] =	dma.local [hbm:s3], $0xF7A  }
0x26: {  	[smem:$0x3FA0] =	sst s1;
	(tag) =	ssettag s2;
	_ =	strace s9  }
0x27: {  	s1 =	sld [smem:$0x3FB0]  }
0x28: {  	s2 =	sld [smem:$0x3FB1]  }
0x29: {  	s4 =	sld [smem:$0x3FB3]  }
0x2a: {  	p0 =	seq.s32 s5, $0x0;
	s5 =	sld [smem:$0x3FB4]  }
0x2b: {  	s6 =	sld [smem:$0x3FB5]  }
0x2c: {  	s7 =	sld [smem:$0x3FB6]  }
0x2d: {  	s3 =	simm.s32 $0x108;
	s8 =	sld [smem:$0x3FB7]  }
0x2e: {  	s3 =	simm.s32 @!p0 $0x1082;
	s9 =	sld [smem:$0x3FB8]  }
0x2f: {  	lr =	sadd.s32 s0, s3;
	s0 =	sld [smem:$0x3FAF]  }
0x30: {  	s3 =	sld [smem:$0x3FB2]  }
0x31: {  	[smem:$0x3FBB] =	sst s10  }
0x32: {  	s10 =	sld [smem:$0x3FB9];
	_ =	sdelay $0x3  }
0x33: {  	p0 =	seq.s32 s10, $0x1;
	s10 =	sld [smem:$0x3FBB];
	_ =	sdelay $0x3  }
0x34: {  	[smem:$0x3FBB] =	sst s10  }
0x35: {  	s10 =	sld [smem:$0x3FBA];
	_ =	sdelay $0x3  }
0x36: {  	p1 =	seq.s32 s10, $0x1;
	s10 =	sld [smem:$0x3FBB];
	_ =	sdelay $0x3  }
0x37: {  	[smem:$0x3FBB] =	sst s10  }
0x38: {  	s10 =	sld [smem:$0x3FBC]  }
0x39: {  	_ = 	snop;
	(pc) =	sbr.ind lr, $3  }
0x3a: {  	_ = 	snop  }
0x3b: {  	_ = 	snop  }
0x3c: {  	p2 =	seq.s32 s10, $0x1;
	s10 =	sld [smem:$0x3FBB]  }
0x3d: {  	_ =	shalt  }
0x3e: {  	_ =	shalt  }
0x3f: {  	_ =	shalt  }
0x40: {  	_ =	shalt  }
0x41: {  	_ =	shalt  }
0x42: {  	_ =	shalt  }
0x43: {  	_ =	shalt  }
0x44: {  	_ =	shalt  }
0x45: {  	_ =	shalt  }
0x46: {  	_ =	shalt  }
0x47: {  	_ =	shalt  }
0x48: {  	_ =	shalt  }
0x49: {  	_ =	shalt  }
0x4a: {  	_ =	shalt  }
0x4b: {  	_ =	shalt  }
0x4c: {  	_ =	shalt  }
0x4d: {  	_ =	shalt  }
0x4e: {  	_ =	shalt  }
0x4f: {  	_ =	shalt  }
0x50: {  	_ =	shalt  }
0x51: {  	_ =	shalt  }
0x52: {  	_ =	shalt  }
0x53: {  	_ =	shalt  }
0x54: {  	_ =	shalt  }
0x55: {  	_ =	shalt  }
0x56: {  	_ =	shalt  }
0x57: {  	_ =	shalt  }
0x58: {  	_ =	shalt  }
0x59: {  	_ =	shalt  }
0x5a: {  	_ =	shalt  }
0x5b: {  	_ =	shalt  }
0x5c: {  	_ =	shalt  }
0x5d: {  	_ =	shalt  }
0x5e: {  	_ =	shalt  }
0x5f: {  	_ =	shalt  }
0x60: {  	_ =	shalt  }
0x61: {  	_ =	shalt  }
0x62: {  	_ =	shalt  }
0x63: {  	_ =	shalt  }
0x64: {  	_ =	shalt  }
0x65: {  	_ =	shalt  }
0x66: {  	_ =	shalt  }
0x67: {  	_ =	shalt  }
0x68: {  	_ =	shalt  }
0x69: {  	_ =	shalt  }
0x6a: {  	_ =	shalt  }
0x6b: {  	_ =	shalt  }
0x6c: {  	_ =	shalt  }
0x6d: {  	_ =	shalt  }
0x6e: {  	_ =	shalt  }
0x6f: {  	_ =	shalt  }
0x70: {  	_ =	shalt  }
0x71: {  	_ =	shalt  }
0x72: {  	_ =	shalt  }
0x73: {  	_ =	shalt  }
0x74: {  	_ =	shalt  }
0x75: {  	_ =	shalt  }
0x76: {  	_ =	shalt  }
0x77: {  	_ =	shalt  }
0x78: {  	_ =	shalt  }
0x79: {  	_ =	shalt  }
0x7a: {  	_ =	shalt  }
0x7b: {  	_ =	shalt  }
0x7c: {  	_ =	shalt  }
0x7d: {  	_ =	shalt  }
0x7e: {  	_ =	shalt  }
0x7f: {  	_ =	shalt  }
0x80: {  	_ =	shalt  }
0x81: {  	_ =	shalt  }
0x82: {  	_ =	shalt  }
0x83: {  	_ =	shalt  }
0x84: {  	_ =	shalt  }
0x85: {  	_ =	shalt  }
0x86: {  	_ =	shalt  }
0x87: {  	_ =	shalt  }
.Lfunc_end0:
.L_simem_size_0:
called_computation_lowered:
.L_overlay_start_0:
0x88: {  	s2 =	sld [smem:$0x3FD9]  }
0x89: {  	s3 =	sld [smem:$0x3FFE];
	_ =	sdelay $0x1  }
0x8a: {  	s1 =	srdreg.scid  }
0x8b: {  	s0 =	sand.u32 $0x1, s1  }
0x8c: {  	s17 =	sshll.u32 s0, $0xA;
	s2 =	sadd.s32 s3, s2  }
0x8d: {  	s2 =	sadd.s32 s2, s17  }
0x8e: {  	[smem:$0x3FC7] =	sst s2  }
0x8f: {  	_ = 	snop  }
0x90: {  	s2 =	sld [smem:$0x3FC9]  }
0x91: {  	s18 =	sld [smem:$0x3FD0];
	(tm) =	ssettm $0x1  }
0x92: {  	s4 =	sld [smem:$0x3FFB];
	_ =	sdelay $0x3  }
0x93: {  	_ =	strace s4  }
0x94: {  	s4 =	sld [smem:$0x3FFC];
	_ =	sdelay $0x3  }
0x95: {  	_ =	strace s4  }
0x96: {  	s4 =	sld [smem:$0x3FFD];
	_ =	sdelay $0x3  }
0x97: {  	_ =	strace s4  }
0x98: {  	_ =	strace $0x8FFFFFFF  }
0x99: {  	s19 =	sld [smem:$0x3FDB];
	_ =	sdelay $0x1  }
0x9a: {  	s5 =	simm.s32 $_scs_section_size  }
0x9b: {  	s6 =	simm.s32 $_size__tile_overlayer_lowered;
	s7 =	simm.s32 $_tile_overlayer_lowered  }
0x9c: {  	s22 =	simm.s32 $0x1BFF;
	s21 =	sshll.u32 s7, $0x1;
	s4 =	sadd.s32 s5, s19  }
0x9d: {  	s8 =	simm.s32 $0x0;
	s20 =	sshll.u32 s6, $0x1;
	s6 =	sadd.s32 s21, s4  }
0x9e: {  	[timem:s8], [sflag:s22] =	dma.local [hbm:s6], s20  }
0x9f: {  	_ =	swait.ge [sflag:s22], s20  }
0xa0: {  	s5 =	ssub.s32 $0x0, s20;
	[sflag:s22] =	ssyncset.done $0x0  }
0xa1: {  	[sflag:s22] =	ssyncadd.s32 s5;
	_ =	sdelay $0x1  }
0xa2: {  	s23 =	simm.s32 $0x1B8B  }
0xa3: {  	_ =	swait.ge [sflag:s23], $0x1  }
0xa4: {  	[sflag:s23] =	ssyncset.done $0x0  }
0xa5: {  	s25 =	simm.s32 $0x1B8E;
	s24 =	sld [smem:$0x3FFE];
	[sflag:s23] =	ssyncadd.s32 $0xFFFFFFFF  }
0xa6: {  	s26 =	simm.s32 $execute0_lowered;
	[smem:$0x3FD2] =	sst s25  }
0xa7: {  	s6 =	sshll.u32 s26, $0x1;
	_ =	strace $0x80000046;
	[dreg:$0x1] =	wrdreg $0xFFFFFFFF  }
0xa8: {  	s28 =	simm.s32 $_size_execute0_lowered;
	s4 =	sadd.s32 s4, s6;
	[dreg:$0x0] =	wrdreg $0x0  }
0xa9: {  	s6 =	sshll.u32 s28, $0x1;
	[dreg:$0x2] =	wrdreg s4  }
0xaa: {  	[dreg:$0x3] =	wrdreg s6  }
0xab: {  	[dreg:$0x4] =	wrdreg $0xC0  }
0xac: {  	_ =	task [dreg:s8], $0x5FFFF  }
0xad: {  	[dreg:$0x1] =	wrdreg $0xFFFFFFFF  }
0xae: {  	[dreg:$0x0] =	wrdreg $0x60  }
0xaf: {  	[dreg:$0x2] =	wrdreg s2  }
0xb0: {  	[dreg:$0x3] =	wrdreg s24  }
0xb1: {  	[dreg:$0x4] =	wrdreg s18  }
0xb2: {  	[dreg:$0x5] =	wrdreg $0x9  }
0xb3: {  	_ =	task.clear_ibuf [dreg:s8], $0x6FFFF;
	_ =	strace $0x90000046  }
0xb4: {  	s29 =	simm.s32 $0x9;
	_ =	strace $0x80000048  }
0xb5: {  	_ =	swait.ge [sflag:s29], $0x1  }
0xb6: {  	[sflag:s29] =	ssyncadd.s32 $0xFFFFFFFF  }
0xb7: {  	_ =	strace $0x90000048  }
0xb8: {  	_ =	sfence  }
0xb9: {  	s30 =	sld [smem:$0x0];
	_ =	sdelay $0x2  }
0xba: {  	s31 =	sshll.u32 s1, $0xD;
	s1 =	sshrl.u32 s1, $0x2  }
0xbb: {  	s3 =	sand.u32 $0x4000, s31;
	s1 =	sadd.s32 s1, s30  }
0xbc: {  	s0 =	sor.u32 s3, s0;
	s1 =	sshll.u32 s1, $0x11  }
0xbd: {  	s0 =	sor.u32 s1, s0  }
0xbe: {  	s0 =	sadd.s32 $0x8F2B, s0  }
0xbf: {  	[sflag:s0] =	ssyncadd.remote.s32 $0x1  }
0xc0: {  	_ =	sfence.sel $0xFFFF  }
0xc1: {  	[dreg:$0x0] =	wrdreg $0xFFFFFFFF;
	(pc) =	sbr.abs _section_cstart, $3  }
0xc2: {  	[dreg:$0x1] =	wrdreg $0xFFFFFFFF  }
0xc3: {  	_ =	task.clear_ibuf [dreg:s8], $0x2FFFF;
	_ =	strace $0x9FFFFFFF  }
0xc4: {  	(tm) =	ssettm $0x7FFFFFFF  }
0xc5: {  	_ =	shalt  }
tec
execute0_lowered:
.L_overlay_start_1:
0x0: {  	(tag) =	ssettag $0x1  }
0x1: {  	s5 =	rddreg [dreg:$0x0]  }
0x2: {  	s1 =	srdreg.scid;
	s3 =	rddreg [dreg:$0x1]  }
0x3: {  	s0 =	stileid.u32;
	s7 =	rddreg [dreg:$0x2];
	s4 =	sand.u32 $0x1, s1  }
0x4: {  	s2 =	simm.s32 $0x0;
	s6 =	sshll.u32 s0, $0x3;
	s8 =	sshll.u32 s4, $0x2  }
0x5: {  	s10 =	simm.s32 $0x3;
	s11 =	simm.s32 $0x1;
	s6 =	sor.u32 s8, s6  }
0x6: {  	s15 =	simm.s32 $0x2;
	s16 =	simm.s32 $0x0;
	s8 =	smul.u32 $0x1800, s6  }
0x7: {  	[smem:$0x7FF] =	sst s2;
	s3 =	sadd.s32 $0x400, s3;
	s4 =	ssub.s32 $0x2, s4  }
0x8: {  	s9 =	sshrl.u32 s4, $0x1;
	s6 =	smul.u32 $0x300, s6;
	s8 =	sshrl.u32 s8, $0x3  }
0x9: {  	_ =	strace $0x80000047;
	s9 =	ssub.s32 s4, s9;
	s8 =	sadd.s32 $0x600, s8  }
0xa: {  	s4 =	sadd.s32 s5, s6;
	s6 =	sadd.s32 s7, s6;
	s5 =	sadd.s32 s5, s8  }
0xb: {  	s7 =	sadd.s32 s7, s8;
	s8 =	smax.u32 s9, $0x1;
	s9 =	simm.s32 $0xC000  }
.LBB2_1:
0xc: {  	[tilespmem:s2], [sflag:$0x1] =	stream.linear.gather [hbm4b:s4+s2], $0x3000, $0x38;
	[tilespmem:$0xC100] =	vst v63  }
0xd: {  	s17 =	simm.s32 $0x0  }
0xe: {  	s18 =	sor.u32 $0xC, s17  }
0xf: {  	[tilespmem:s9], [sflag:$0x3] =	stream.linear.gather [hbm4b:s3+s2], $0x100, $0x38;
	[tilespmem:$0xC100] =	vst v63  }
0x10: {  	s19 =	sor.u32 $0x4, s17;
	s21 =	smul.u32 $0xAAAB, s17;
	s20 =	sand.u32 $0xFFFF, s18  }
0x11: {  	s17 =	sor.u32 $0x8, s17;
	s22 =	sand.u32 $0xFFFF, s19;
	s20 =	smul.u32 $0xAAAB, s20  }
0x12: {  	s0 =	simm.s32 $0x3000;
	s24 =	sand.u32 $0xFFFF, s17;
	s22 =	smul.u32 $0xAAAB, s22  }
0x13: {  	_ =	swait.ge [sflag:s10], $0x100;
	s23 =	sshrl.u32 s21, $0x15;
	s24 =	smul.u32 $0xAAAB, s24  }
0x14: {  	s25 =	sshrl.u32 s21, $0x18;
	s21 =	sshrl.u32 s21, $0xE;
	s23 =	smul.u32 $0x30, s23  }
0x15: {  	[sflag:s10] =	ssyncset.done $0x0;
	s26 =	smul.u32 $0x1800, s25;
	s21 =	sand.u32 $0x380, s21  }
0x16: {  	[sflag:s10] =	ssyncadd.s32 $0xFFFFFF00;
	s20 =	sshrl.u32 s20, $0x11;
	s22 =	sshrl.u32 s22, $0x11  }
0x17: {  	_ =	swait.ge [sflag:s11], $0x3000;
	s22 =	sand.u32 $0x30, s22;
	s29 =	ssub.s32 $0x0, s23  }
0x18: {  	[sflag:s11] =	ssyncset.done $0x0;
	s19 =	sadd.s32 s22, s19;
	s22 =	sshll.u32 s29, $0x7  }
0x19: {  	s20 =	sand.u32 $0x30, s20;
	[sflag:s11] =	ssyncadd.s32 $0xFFFFD000;
	s22 =	sand.u32 $0xFF80, s22  }
0x1a: {  	[tilespmem:s0], [sflag:$0x1] =	stream.linear.gather [hbm4b:s5+s2], $0x3000, $0x38;
	[tilespmem:$0xC100] =	vst v63  }
0x1b: {  	s24 =	sshrl.u32 s24, $0x15;
	s18 =	sadd.s32 s20, s18;
	s20 =	sadd.s32 s22, s26  }
0x1c: {  	s28 =	smul.u32 $0x30, s24;
	s19 =	sshll.u32 s19, $0x7;
	s20 =	sor.u32 s21, s20  }
0x1d: {  	s18 =	sshll.u32 s18, $0x7;
	s19 =	sand.u32 $0x1800, s19;
	v3 =	vld [tilespmem:s20+$0x10]  }
0x1e: {  	s17 =	ssub.s32 s17, s28;
	s18 =	sand.u32 $0x1C00, s18;
	s19 =	sadd.s32 s19, s26;
	v5 =	vld [tilespmem:s20+$0x0]  }
0x1f: {  	s30 =	sshll.u32 s17, $0x7;
	s18 =	sadd.s32 s18, s26;
	s17 =	sor.u32 s21, s19;
	v14 =	vld [tilespmem:s20+$0x30]  }
0x20: {  	s19 =	sor.u32 s21, s18;
	v0 =	vld [tilespmem:s17+$0x40]  }
0x21: {  	v1 =	vld [tilespmem:s19+$0x40]  }
0x22: {  	s25 =	simm.s32 $0x10;
	v4 =	vld [tilespmem:s17+$0x50]  }
0x23: {  	s1 =	sor.u32 $0x4, s25;
	s23 =	sand.u32 $0xFF80, s30;
	v6 =	vld [tilespmem:s19+$0x50]  }
0x24: {  	s28 =	sand.u32 $0xFFFF, s1;
	s31 =	sadd.s32 s23, s26;
	v11 =	vld [tilespmem:s17+$0x70]  }
0x25: {  	s28 =	smul.u32 $0xAAAB, s28;
	s18 =	sadd.s32 s21, s31;
	v13 =	vld [tilespmem:s19+$0x60]  }
0x26: {  	v2 =	vld [tilespmem:s18+$0x10];
	v3 =	vmul.f32 $2.000000000e+01, v3  }
0x27: {  	s13 =	smul.u32 $0xAAAB, s25;
	s28 =	sshrl.u32 s28, $0x11;
	v15 =	vld [tilespmem:s19+$0x70];
	v5 =	vmul.f32 $2.000000000e+01, v5;
	v14 =	vmul.f32 $2.000000000e+01, v14  }
0x28: {  	s28 =	sand.u32 $0x30, s28;
	v7 =	vld [tilespmem:s18+$0x0];
	v0 =	vmul.f32 $2.000000000e+01, v0;
	v1 =	vmul.f32 $2.000000000e+01, v1  }
0x29: {  	s31 =	sshrl.u32 s13, $0x18;
	s22 =	sadd.s32 s28, s1;
	v4 =	vmul.f32 $2.000000000e+01, v4;
	v6 =	vmul.f32 $2.000000000e+01, v6  }
0x2a: {  	s14 =	smul.u32 $0x1800, s31;
	s22 =	sshll.u32 s22, $0x7;
	v11 =	vmul.f32 $2.000000000e+01, v11;
	v13 =	vmul.f32 $2.000000000e+01, v13  }
0x2b: {  	s24 =	sshrl.u32 s13, $0xE;
	s22 =	sand.u32 $0x1800, s22;
	v2 =	vmul.f32 $2.000000000e+01, v2;
	v3 =	vadd.f32 $1.205000000e+02, v3;
	v5 =	vadd.f32 $1.205000000e+02, v5  }
0x2c: {  	s24 =	sand.u32 $0x380, s24;
	s22 =	sadd.s32 s22, s14;
	v15 =	vmul.f32 $2.000000000e+01, v15;
	v0 =	vadd.f32 $1.205000000e+02, v0;
	v8 =	vadd.f32 $1.205000000e+02, v1  }
0x2d: {  	s22 =	sor.u32 s24, s22;
	v7 =	vmul.f32 $2.000000000e+01, v7;
	v1 =	vadd.f32 $1.205000000e+02, v4;
	v2 =	vadd.f32 $1.205000000e+02, v2  }
0x2e: {  	s0 =	sor.u32 $0xC, s25;
	v24 =	vld [tilespmem:s22+$0x50];
	v11 =	vadd.f32 $1.205000000e+02, v11;
	v18 =	vadd.f32 $1.205000000e+02, v13;
	v3 =	vmax.f32 v3, $0.0e+00  }
0x2f: {  	s12 =	sand.u32 $0xFFFF, s0;
	v4 =	vld [tilespmem:s17+$0x60];
	v15 =	vadd.f32 $1.205000000e+02, v15;
	v3 =	vmin.f32 v3, $2.400000000e+02;
	v2 =	vmax.f32 v2, $0.0e+00  }
0x30: {  	v9 =	vld [tilespmem:s20+$0x20];
	s26 =	sor.u32 $0x8, s25;
	s23 =	smul.u32 $0xAAAB, s12;
	v1 =	vmax.f32 v1, $0.0e+00;
	v12 =	vmax.f32 v0, $0.0e+00;
	v2 =	vmin.f32 v2, $2.400000000e+02  }
0x31: {  	s29 =	sand.u32 $0xFFFF, s26;
	v8 =	vmax.f32 v8, $0.0e+00;
	v3 =	vtrunc.f32 v3;
	v2 =	vtrunc.f32 v2  }
0x32: {  	s23 =	sshrl.u32 s23, $0x11;
	s29 =	smul.u32 $0xAAAB, s29;
	v10 =	vmin.f32 v1, $2.400000000e+02;
	v1 =	vcvt.f32.s32 v3;
	v0 =	vcvt.f32.s32 v2;
	v2 =	vld [tilespmem:s18+$0x20]  }
0x33: {  	s23 =	sand.u32 $0x30, s23;
	v3 =	vmax.f32 v5, $0.0e+00;
	v5 =	vtrunc.f32 v10;
	v24 =	vmul.f32 $2.000000000e+01, v24  }
0x34: {  	s21 =	sadd.s32 s23, s0;
	s29 =	sshrl.u32 s29, $0x15;
	v10 =	vmin.f32 v3, $2.400000000e+02;
	v4 =	vmul.f32 $2.000000000e+01, v4;
	v3 =	vcvt.f32.s32 v5  }
0x35: {  	s30 =	sshrl.u32 s13, $0x15;
	s21 =	sshll.u32 s21, $0x7;
	s28 =	smul.u32 $0x30, s29;
	v5 =	vadd.f32 $1.205000000e+02, v7;
	v7 =	vmul.f32 $2.000000000e+01, v9;
	v9 =	vmin.f32 v12, $2.400000000e+02  }
0x36: {  	s30 =	smul.u32 $0x30, s30;
	s21 =	sand.u32 $0x1C00, s21;
	v8 =	vmin.f32 v8, $2.400000000e+02;
	v10 =	vtrunc.f32 v10;
	v9 =	vtrunc.f32 v9  }
0x37: {  	s21 =	sadd.s32 s21, s14;
	s26 =	ssub.s32 s26, s28;
	v12 =	vld [tilespmem:s18+$0x30];
	v4 =	vadd.f32 $1.205000000e+02, v4;
	v5 =	vmax.f32 v5, $0.0e+00;
	v2 =	vmul.f32 $2.000000000e+01, v2  }
0x38: {  	s30 =	ssub.s32 $0x10, s30;
	s26 =	sshll.u32 s26, $0x7;
	s21 =	sor.u32 s24, s21;
	v10 =	vcvt.f32.s32 v10;
	v9 =	vcvt.f32.s32 v9;
	v7 =	vadd.f32 $1.205000000e+02, v7  }
0x39: {  	s31 =	sshll.u32 s30, $0x7;
	s26 =	sand.u32 $0xFF80, s26;
	v16 =	vld [tilespmem:s21+$0x50];
	v5 =	vmin.f32 v5, $2.400000000e+02;
	v4 =	vmax.f32 v4, $0.0e+00;
	v2 =	vadd.f32 $1.205000000e+02, v2  }
0x3a: {  	s28 =	sand.u32 $0xFF80, s31;
	v17 =	vld [tilespmem:s22+$0x40];
	s26 =	sadd.s32 s26, s14;
	v5 =	vtrunc.f32 v5;
	v25 =	vmax.f32 v7, $0.0e+00;
	v4 =	vmin.f32 v4, $2.400000000e+02  }
0x3b: {  	s28 =	sadd.s32 s28, s14;
	v20 =	vld [tilespmem:s21+$0x40];
	s23 =	sadd.s32 s24, s26;
	v5 =	vcvt.f32.s32 v5;
	v4 =	vtrunc.f32 v4;
	v13 =	vmax.f32 v2, $0.0e+00  }
0x3c: {  	s24 =	sor.u32 s24, s28;
	v21 =	vld [tilespmem:s23+$0x10];
	v2 =	vmul.f32 $2.000000000e+01, v12;
	v12 =	vadd.f32 $1.205000000e+02, v6;
	v6 =	vtrunc.f32 v8  }
0x3d: {  	v4 =	vcvt.f32.s32 v4;
	v8 =	vmax.f32 v18, $0.0e+00;
	v18 =	vld [tilespmem:s24+$0x10];
	v23 =	vcvt.f32.s32 v6  }
0x3e: {  	v22 =	vadd.f32 $1.205000000e+02, v2;
	v2 =	vmul.f32 $2.000000000e+01, v16;
	v16 =	vld.idx.msk [tilespmem:v10+s9+$0x0], $0xffff;
	v10 =	vmax.f32 v11, $0.0e+00  }
0x3f: {  	v19 =	vld [tilespmem:s24+$0x0];
	v8 =	vmin.f32 v8, $2.400000000e+02;
	v11 =	vmul.f32 $2.000000000e+01, v17;
	v6 =	vmin.f32 v10, $2.400000000e+02  }
0x40: {  	v17 =	vld.idx.msk [tilespmem:v9+s9+$0x0], $0xffff;
	v10 =	vmax.f32 v12, $0.0e+00;
	v12 =	vtrunc.f32 v8;
	v8 =	vmul.f32 $2.000000000e+01, v20  }
0x41: {  	v9 =	vld.idx.msk [tilespmem:v5+s9+$0x0], $0xffff;
	v20 =	vmul.f32 $2.000000000e+01, v21;
	v21 =	vmax.f32 v15, $0.0e+00;
	v7 =	vmax.f32 v22, $0.0e+00  }
0x42: {  	v11 =	vadd.f32 $1.205000000e+02, v11;
	v5 =	vmin.f32 v10, $2.400000000e+02;
	v10 =	vld [tilespmem:s23+$0x0];
	v22 =	vmin.f32 v25, $2.400000000e+02  }
0x43: {  	v26 =	vtrunc.f32 v5;
	v27 =	vmul.f32 $2.000000000e+01, v18;
	v18 =	vadd.f32 $1.205000000e+02, v14;
	v5 =	vld [tilespmem:s21+$0x60]  }
0x44: {  	v7 =	vmin.f32 v7, $2.400000000e+02;
	v20 =	vadd.f32 $1.205000000e+02, v20;
	v8 =	vadd.f32 $1.205000000e+02, v8;
	v15 =	vld.idx.msk [tilespmem:v23+s9+$0x0], $0xffff  }
0x45: {  	v22 =	vtrunc.f32 v22;
	v14 =	vld [tilespmem:s22+$0x60];
	[tilespmem:s20+$0x6000] =	vst v16;
	v23 =	vadd.f32 $1.205000000e+02, v27;
	v16 =	vcvt.f32.s32 v26  }
.LBB2_2:
0x46: {  	s25 =	sadd.s32 $0x10, s25;
	v19 =	vmul.f32 $2.000000000e+01, v19;
	v25 =	vld.idx.msk [tilespmem:v1+s9+$0x0], $0xffff;
	[tilespmem:s17+$0x6040] =	vst v17;
	v1 =	vmin.f32 v13, $2.400000000e+02;
	v13 =	vmin.f32 v21, $2.400000000e+02  }
0x47: {  	v22 =	vcvt.f32.s32 v22;
	s28 =	sor.u32 $0x4, s25;
	s26 =	sor.u32 $0x8, s25;
	s30 =	sor.u32 $0xC, s25;
	v17 =	vmax.f32 v23, $0.0e+00;
	v21 =	vadd.f32 $1.205000000e+02, v24;
	v3 =	vld.idx.msk [tilespmem:v3+s9+$0x0], $0xffff;
	[tilespmem:s18+$0x6000] =	vst v9  }
0x48: {  	s29 =	sand.u32 $0xFFFF, s28;
	s31 =	sand.u32 $0xFFFF, s26;
	s1 =	sand.u32 $0xFFFF, s30;
	v19 =	vadd.f32 $1.205000000e+02, v19;
	v9 =	vmin.f32 v17, $2.400000000e+02;
	v17 =	vld.idx.msk [tilespmem:v0+s9+$0x0], $0xffff;
	v0 =	vtrunc.f32 v1  }
0x49: {  	s0 =	smul.u32 $0xAAAB, s25;
	p0 =	slt.u32 s25, $0x2F0;
	v1 =	vtrunc.f32 v9;
	v21 =	vmax.f32 v21, $0.0e+00;
	v9 =	vld [tilespmem:s21+$0x70];
	v23 =	vcvt.f32.s32 v0;
	[tilespmem:s19+$0x6040] =	vst v15  }
0x4a: {  	v13 =	vtrunc.f32 v13;
	s1 =	smul.u32 $0xAAAB, s1;
	v0 =	vmax.f32 v20, $0.0e+00;
	v15 =	vmin.f32 v21, $2.400000000e+02;
	v21 =	vld [tilespmem:s22+$0x70]  }
0x4b: {  	v18 =	vmax.f32 v18, $0.0e+00;
	s12 =	sshrl.u32 s0, $0x15;
	s13 =	sshrl.u32 s0, $0x18;
	s14 =	smul.u32 $0xAAAB, s29;
	v1 =	vcvt.f32.s32 v1;
	v0 =	vmin.f32 v0, $2.400000000e+02;
	v16 =	vld.idx.msk [tilespmem:v16+s9+$0x0], $0xffff  }
0x4c: {  	v12 =	vcvt.f32.s32 v12;
	v18 =	vmin.f32 v18, $2.400000000e+02;
	s0 =	sshrl.u32 s0, $0xE;
	s12 =	smul.u32 $0x30, s12;
	s1 =	sshrl.u32 s1, $0x11;
	v0 =	vtrunc.f32 v0;
	v20 =	vld [tilespmem:s24+$0x20];
	[tilespmem:s20+$0x6010] =	vst v25  }
0x4d: {  	v11 =	vmax.f32 v11, $0.0e+00;
	v18 =	vtrunc.f32 v18;
	s29 =	sand.u32 $0x380, s0;
	s0 =	sshrl.u32 s14, $0x11;
	s1 =	sand.u32 $0x30, s1;
	v0 =	vcvt.f32.s32 v0;
	v22 =	vld.idx.msk [tilespmem:v22+s9+$0x0], $0xffff;
	[tilespmem:s17+$0x6050] =	vst v3  }
0x4e: {  	v10 =	vmul.f32 $2.000000000e+01, v10;
	s14 =	smul.u32 $0xAAAB, s31;
	v15 =	vtrunc.f32 v15;
	s0 =	sand.u32 $0x30, s0;
	s1 =	sadd.s32 s1, s30;
	v3 =	vmax.f32 v19, $0.0e+00;
	v4 =	vld.idx.msk [tilespmem:v4+s9+$0x0], $0xffff  }
0x4f: {  	v7 =	vtrunc.f32 v7;
	s13 =	smul.u32 $0x1800, s13;
	v14 =	vmul.f32 $2.000000000e+01, v14;
	s0 =	sadd.s32 s0, s28;
	s1 =	sshll.u32 s1, $0x7;
	v19 =	vmin.f32 v3, $2.400000000e+02;
	v24 =	vld [tilespmem:s23+$0x20]  }
0x50: {  	v6 =	vtrunc.f32 v6;
	v10 =	vadd.f32 $1.205000000e+02, v10;
	s14 =	sshrl.u32 s14, $0x15;
	s0 =	sshll.u32 s0, $0x7;
	v3 =	vcvt.f32.s32 v15;
	s1 =	sand.u32 $0x1C00, s1;
	v25 =	vld [tilespmem:s24+$0x30];
	[tilespmem:s18+$0x6010] =	vst v17  }
0x51: {  	v11 =	vmin.f32 v11, $2.400000000e+02;
	s14 =	smul.u32 $0x30, s14;
	s0 =	sand.u32 $0x1800, s0;
	s1 =	sadd.s32 s1, s13;
	v17 =	vcvt.f32.s32 v18;
	v15 =	vmul.f32 $2.000000000e+01, v20;
	v18 =	vld.idx.msk [tilespmem:v23+s9+$0x0], $0xffff;
	[tilespmem:s19+$0x6050] =	vst v16  }
0x52: {  	v8 =	vmax.f32 v8, $0.0e+00;
	v13 =	vcvt.f32.s32 v13;
	s12 =	ssub.s32 s25, s12;
	s0 =	sadd.s32 s0, s13;
	v16 =	vmul.f32 $2.000000000e+01, v21;
	v12 =	vld.idx.msk [tilespmem:v12+s9+$0x0], $0xffff  }
0x53: {  	v7 =	vcvt.f32.s32 v7;
	v14 =	vadd.f32 $1.205000000e+02, v14;
	s12 =	sshll.u32 s12, $0x7;
	v19 =	vtrunc.f32 v19;
	s28 =	sor.u32 s29, s0;
	s0 =	ssub.s32 s26, s14;
	v20 =	vld [tilespmem:s23+$0x30];
	[tilespmem:s20+$0x6020] =	vst v22  }
0x54: {  	v6 =	vcvt.f32.s32 v6;
	v10 =	vmax.f32 v10, $0.0e+00;
	s12 =	sand.u32 $0xFF80, s12;
	s26 =	sor.u32 s29, s1;
	s0 =	sshll.u32 s0, $0x7;
	v21 =	vld [tilespmem:s28+$0x40];
	v22 =	vmul.f32 $2.000000000e+01, v24;
	[tilespmem:s17+$0x6060] =	vst v4  }
0x55: {  	v5 =	vmul.f32 $2.000000000e+01, v5;
	v10 =	vmin.f32 v10, $2.400000000e+02;
	s1 =	sadd.s32 s12, s13;
	s0 =	sand.u32 $0xFF80, s0;
	v4 =	vmax.f32 v14, $0.0e+00;
	v23 =	vld [tilespmem:s26+$0x40]  }
0x56: {  	v11 =	vtrunc.f32 v11;
	s1 =	sor.u32 s29, s1;
	s0 =	sadd.s32 s0, s13;
	v24 =	vmul.f32 $2.000000000e+01, v25;
	v4 =	vmin.f32 v4, $2.400000000e+02;
	v14 =	vld [tilespmem:s26+$0x50]  }
0x57: {  	v19 =	vcvt.f32.s32 v19;
	s29 =	sadd.s32 s29, s0;
	v4 =	vtrunc.f32 v4;
	v22 =	vadd.f32 $1.205000000e+02, v22;
	v17 =	vld.idx.msk [tilespmem:v17+s9+$0x0], $0xffff;
	[tilespmem:s18+$0x6020] =	vst v18  }
0x58: {  	v8 =	vmin.f32 v8, $2.400000000e+02;
	v11 =	vcvt.f32.s32 v11;
	v4 =	vcvt.f32.s32 v4;
	v18 =	vld [tilespmem:s29+$0x10];
	[tilespmem:s19+$0x6060] =	vst v12  }
0x59: {  	v5 =	vadd.f32 $1.205000000e+02, v5;
	v10 =	vtrunc.f32 v10;
	v12 =	vadd.f32 $1.205000000e+02, v16;
	v16 =	vld.idx.msk [tilespmem:v13+s9+$0x0], $0xffff  }
0x5a: {  	v20 =	vmul.f32 $2.000000000e+01, v20;
	v13 =	vmax.f32 v22, $0.0e+00;
	v22 =	vadd.f32 $1.205000000e+02, v2;
	v25 =	vld.idx.msk [tilespmem:v6+s9+$0x0], $0xffff  }
0x5b: {  	v5 =	vmax.f32 v5, $0.0e+00;
	v10 =	vcvt.f32.s32 v10;
	v6 =	vtrunc.f32 v8;
	v8 =	vld.idx.msk [tilespmem:v7+s9+$0x0], $0xffff  }
0x5c: {  	v9 =	vmul.f32 $2.000000000e+01, v9;
	v7 =	vadd.f32 $1.205000000e+02, v15;
	v15 =	vadd.f32 $1.205000000e+02, v20;
	v26 =	vld [tilespmem:s1+$0x10]  }
0x5d: {  	v12 =	vmax.f32 v12, $0.0e+00;
	v2 =	vmul.f32 $2.000000000e+01, v14;
	v20 =	vcvt.f32.s32 v6;
	v14 =	vld.idx.msk [tilespmem:v19+s9+$0x0], $0xffff;
	[tilespmem:s20+$0x6030] =	vst v17;
	s20 =	smov.u32 s24;
	s24 =	smov.u32 s1  }
0x5e: {  	v21 =	vmul.f32 $2.000000000e+01, v21;
	v6 =	vmin.f32 v12, $2.400000000e+02;
	v28 =	vmax.f32 v7, $0.0e+00;
	v27 =	vld [tilespmem:s28+$0x50]  }
0x5f: {  	v5 =	vmin.f32 v5, $2.400000000e+02;
	v7 =	vmax.f32 v15, $0.0e+00;
	v15 =	vadd.f32 $1.205000000e+02, v9;
	v19 =	vld [tilespmem:s24+$0x0];
	[tilespmem:s19+$0x6070] =	vst v16;
	s19 =	smov.u32 s21;
	s21 =	smov.u32 s26  }
0x60: {  	v12 =	vtrunc.f32 v5;
	v7 =	vmin.f32 v7, $2.400000000e+02;
	v16 =	vmax.f32 v22, $0.0e+00;
	v17 =	vld.idx.msk [tilespmem:v11+s9+$0x0], $0xffff;
	[tilespmem:s17+$0x6070] =	vst v25;
	s17 =	smov.u32 s22;
	s22 =	smov.u32 s28  }
.Ltmp0:
0x61: {  	v5 =	vmul.f32 $2.000000000e+01, v23;
	v11 =	vadd.f32 $1.205000000e+02, v21;
	v16 =	vmin.f32 v16, $2.400000000e+02;
	v9 =	vld.idx.msk [tilespmem:v10+s9+$0x0], $0xffff;
	[tilespmem:s18+$0x6030] =	vst v8;
	s18 =	smov.u32 s23;
	s23 =	smov.u32 s29;
	(pc) =	sbr.rel @p0 .LBB2_2-.Ltmp0, $4  }
0x62: {  	v21 =	vmax.f32 v15, $0.0e+00;
	v8 =	vmul.f32 $2.000000000e+01, v18;
	v16 =	vtrunc.f32 v16;
	v10 =	vld [tilespmem:s23+$0x0]  }
0x63: {  	v23 =	vmul.f32 $2.000000000e+01, v26;
	v18 =	vadd.f32 $1.205000000e+02, v24;
	[tilespmem:s20+$0x6000] =	vst v14;
	v14 =	vmin.f32 v28, $2.400000000e+02;
	v15 =	vld.idx.msk [tilespmem:v20+s9+$0x0], $0xffff  }
0x64: {  	v20 =	vadd.f32 $1.205000000e+02, v8;
	v8 =	vadd.f32 $1.205000000e+02, v5;
	v5 =	vld [tilespmem:s21+$0x60];
	v22 =	vtrunc.f32 v14  }
0x65: {  	v16 =	vcvt.f32.s32 v16;
	v23 =	vadd.f32 $1.205000000e+02, v23;
	v24 =	vmul.f32 $2.000000000e+01, v27;
	v14 =	vld [tilespmem:s22+$0x60]  }
0x66: {  	v19 =	vmul.f32 $2.000000000e+01, v19;
	v13 =	vmin.f32 v13, $2.400000000e+02  }
0x67: {  	v21 =	vmin.f32 v21, $2.400000000e+02;
	v22 =	vcvt.f32.s32 v22;
	v20 =	vmax.f32 v20, $0.0e+00  }
0x68: {  	v18 =	vmax.f32 v18, $0.0e+00;
	v12 =	vcvt.f32.s32 v12;
	v11 =	vmax.f32 v11, $0.0e+00  }
0x69: {  	v7 =	vtrunc.f32 v7;
	v6 =	vtrunc.f32 v6;
	v8 =	vmax.f32 v8, $0.0e+00  }
0x6a: {  	v2 =	vadd.f32 $1.205000000e+02, v2;
	v23 =	vmax.f32 v23, $0.0e+00;
	v24 =	vadd.f32 $1.205000000e+02, v24  }
0x6b: {  	v13 =	vtrunc.f32 v13;
	v21 =	vtrunc.f32 v21;
	v20 =	vmin.f32 v20, $2.400000000e+02  }
0x6c: {  	v18 =	vmin.f32 v18, $2.400000000e+02;
	v10 =	vmul.f32 $2.000000000e+01, v10;
	v11 =	vmin.f32 v11, $2.400000000e+02  }
0x6d: {  	v8 =	vmin.f32 v8, $2.400000000e+02;
	v7 =	vcvt.f32.s32 v7;
	v6 =	vcvt.f32.s32 v6  }
0x6e: {  	v23 =	vmin.f32 v23, $2.400000000e+02;
	v13 =	vcvt.f32.s32 v13;
	v20 =	vtrunc.f32 v20  }
0x6f: {  	v25 =	vld [tilespmem:s24+$0x20];
	v19 =	vadd.f32 $1.205000000e+02, v19;
	v18 =	vtrunc.f32 v18;
	v8 =	vtrunc.f32 v8  }
0x70: {  	[tilespmem:s17+$0x6040] =	vst v17;
	v1 =	vld.idx.msk [tilespmem:v1+s9+$0x0], $0xffff;
	v21 =	vcvt.f32.s32 v21;
	v23 =	vtrunc.f32 v23;
	v24 =	vmax.f32 v24, $0.0e+00  }
0x71: {  	v26 =	vld [tilespmem:s22+$0x70];
	[tilespmem:s18+$0x6000] =	vst v9;
	v20 =	vcvt.f32.s32 v20;
	v9 =	vadd.f32 $1.205000000e+02, v10;
	v18 =	vcvt.f32.s32 v18  }
0x72: {  	v3 =	vld.idx.msk [tilespmem:v3+s9+$0x0], $0xffff;
	v8 =	vcvt.f32.s32 v8;
	v24 =	vmin.f32 v24, $2.400000000e+02;
	v19 =	vmax.f32 v19, $0.0e+00  }
0x73: {  	v0 =	vld.idx.msk [tilespmem:v0+s9+$0x0], $0xffff;
	v5 =	vmul.f32 $2.000000000e+01, v5;
	v24 =	vtrunc.f32 v24;
	v17 =	vmin.f32 v19, $2.400000000e+02  }
0x74: {  	[tilespmem:s19+$0x6040] =	vst v15;
	v15 =	vld [tilespmem:s23+$0x20];
	v9 =	vmax.f32 v9, $0.0e+00;
	v19 =	vcvt.f32.s32 v24;
	v17 =	vtrunc.f32 v17  }
0x75: {  	[tilespmem:s20+$0x6010] =	vst v1;
	v24 =	vld [tilespmem:s21+$0x70];
	v1 =	vmin.f32 v9, $2.400000000e+02;
	v9 =	vtrunc.f32 v11;
	v17 =	vcvt.f32.s32 v17  }
0x76: {  	v2 =	vmax.f32 v2, $0.0e+00;
	v23 =	vcvt.f32.s32 v23;
	v11 =	vld.idx.msk [tilespmem:v22+s9+$0x0], $0xffff;
	v9 =	vcvt.f32.s32 v9  }
0x77: {  	v2 =	vmin.f32 v2, $2.400000000e+02;
	v14 =	vmul.f32 $2.000000000e+01, v14;
	[tilespmem:s17+$0x6050] =	vst v3;
	v3 =	vld [tilespmem:s24+$0x30];
	v1 =	vtrunc.f32 v1  }
0x78: {  	v2 =	vtrunc.f32 v2;
	v22 =	vld [tilespmem:s23+$0x30];
	v1 =	vcvt.f32.s32 v1  }
0x79: {  	v10 =	vmul.f32 $2.000000000e+01, v25;
	v5 =	vadd.f32 $1.205000000e+02, v5;
	v14 =	vadd.f32 $1.205000000e+02, v14;
	v4 =	vld.idx.msk [tilespmem:v4+s9+$0x0], $0xffff  }
0x7a: {  	v25 =	vmul.f32 $2.000000000e+01, v26;
	v2 =	vcvt.f32.s32 v2;
	v8 =	vld.idx.msk [tilespmem:v8+s9+$0x0], $0xffff  }
0x7b: {  	v10 =	vadd.f32 $1.205000000e+02, v10;
	v5 =	vmax.f32 v5, $0.0e+00;
	v14 =	vmax.f32 v14, $0.0e+00;
	v17 =	vld.idx.msk [tilespmem:v17+s9+$0x0], $0xffff  }
0x7c: {  	[tilespmem:s18+$0x6010] =	vst v0;
	v15 =	vmul.f32 $2.000000000e+01, v15;
	v5 =	vmin.f32 v5, $2.400000000e+02;
	v0 =	vmin.f32 v14, $2.400000000e+02;
	v9 =	vld.idx.msk [tilespmem:v9+s9+$0x0], $0xffff  }
0x7d: {  	v16 =	vld.idx.msk [tilespmem:v16+s9+$0x0], $0xffff;
	v10 =	vmax.f32 v10, $0.0e+00;
	v5 =	vtrunc.f32 v5;
	v0 =	vtrunc.f32 v0;
	[tilespmem:s20+$0x6020] =	vst v11  }
0x7e: {  	v10 =	vmin.f32 v10, $2.400000000e+02;
	v5 =	vcvt.f32.s32 v5;
	v3 =	vmul.f32 $2.000000000e+01, v3;
	[tilespmem:s17+$0x6060] =	vst v4;
	v1 =	vld.idx.msk [tilespmem:v1+s9+$0x0], $0xffff  }
0x7f: {  	v13 =	vld.idx.msk [tilespmem:v13+s9+$0x0], $0xffff;
	v11 =	vadd.f32 $1.205000000e+02, v15;
	v0 =	vcvt.f32.s32 v0;
	v14 =	vmul.f32 $2.000000000e+01, v24;
	[tilespmem:s21+$0x6040] =	vst v8  }
0x80: {  	v10 =	vtrunc.f32 v10;
	v4 =	vmul.f32 $2.000000000e+01, v22;
	v2 =	vld.idx.msk [tilespmem:v2+s9+$0x0], $0xffff;
	[tilespmem:s24+$0x6000] =	vst v17  }
0x81: {  	v10 =	vcvt.f32.s32 v10;
	v11 =	vmax.f32 v11, $0.0e+00;
	v3 =	vadd.f32 $1.205000000e+02, v3;
	[tilespmem:s22+$0x6040] =	vst v9;
	v15 =	vld.idx.msk [tilespmem:v23+s9+$0x0], $0xffff  }
0x82: {  	[tilespmem:s19+$0x6050] =	vst v16;
	v8 =	vmin.f32 v11, $2.400000000e+02;
	v11 =	vadd.f32 $1.205000000e+02, v14;
	v4 =	vadd.f32 $1.205000000e+02, v4;
	v14 =	vld.idx.msk [tilespmem:v19+s9+$0x0], $0xffff  }
0x83: {  	v12 =	vld.idx.msk [tilespmem:v12+s9+$0x0], $0xffff;
	v3 =	vmax.f32 v3, $0.0e+00;
	v9 =	vadd.f32 $1.205000000e+02, v25;
	[tilespmem:s23+$0x6000] =	vst v1;
	v1 =	vtrunc.f32 v8  }
0x84: {  	[tilespmem:s18+$0x6020] =	vst v13;
	v11 =	vmax.f32 v11, $0.0e+00;
	v3 =	vmin.f32 v3, $2.400000000e+02;
	v8 =	vld.idx.msk [tilespmem:v20+s9+$0x0], $0xffff;
	v1 =	vcvt.f32.s32 v1  }
0x85: {  	v13 =	vld.idx.msk [tilespmem:v18+s9+$0x0], $0xffff;
	v4 =	vmax.f32 v4, $0.0e+00;
	v11 =	vmin.f32 v11, $2.400000000e+02;
	v9 =	vmax.f32 v9, $0.0e+00;
	[tilespmem:s21+$0x6050] =	vst v2  }
0x86: {  	v3 =	vtrunc.f32 v3;
	v11 =	vtrunc.f32 v11;
	v9 =	vmin.f32 v9, $2.400000000e+02;
	v5 =	vld.idx.msk [tilespmem:v5+s9+$0x0], $0xffff;
	[tilespmem:s24+$0x6010] =	vst v15  }
0x87: {  	v2 =	vmin.f32 v4, $2.400000000e+02;
	v4 =	vtrunc.f32 v9;
	v9 =	vcvt.f32.s32 v11;
	[tilespmem:s22+$0x6050] =	vst v14;
	v10 =	vld.idx.msk [tilespmem:v10+s9+$0x0], $0xffff  }
0x88: {  	[tilespmem:s19+$0x6060] =	vst v12;
	v3 =	vcvt.f32.s32 v3;
	v0 =	vld.idx.msk [tilespmem:v0+s9+$0x0], $0xffff  }
0x89: {  	v6 =	vld.idx.msk [tilespmem:v6+s9+$0x0], $0xffff;
	v2 =	vtrunc.f32 v2;
	v4 =	vcvt.f32.s32 v4;
	[tilespmem:s23+$0x6010] =	vst v8  }
0x8a: {  	[tilespmem:s20+$0x6030] =	vst v13;
	v2 =	vcvt.f32.s32 v2;
	v1 =	vld.idx.msk [tilespmem:v1+s9+$0x0], $0xffff  }
0x8b: {  	v7 =	vld.idx.msk [tilespmem:v7+s9+$0x0], $0xffff;
	[tilespmem:s21+$0x6060] =	vst v5  }
0x8c: {  	v12 =	vld.idx.msk [tilespmem:v21+s9+$0x0], $0xffff;
	[tilespmem:s24+$0x6020] =	vst v10  }
0x8d: {  	[tilespmem:s22+$0x6060] =	vst v0;
	v0 =	vld.idx.msk [tilespmem:v9+s9+$0x0], $0xffff  }
0x8e: {  	s25 =	simm.s32 $0x0;
	[tilespmem:s17+$0x6070] =	vst v6;
	v3 =	vld.idx.msk [tilespmem:v3+s9+$0x0], $0xffff  }
0x8f: {  	s12 =	sor.u32 $0x4, s25;
	[tilespmem:s23+$0x6020] =	vst v1;
	v1 =	vld.idx.msk [tilespmem:v4+s9+$0x0], $0xffff  }
0x90: {  	s1 =	sor.u32 $0xC, s25;
	s14 =	smul.u32 $0xAAAB, s25;
	s26 =	sand.u32 $0xFFFF, s12;
	[tilespmem:s18+$0x6030] =	vst v7;
	v2 =	vld.idx.msk [tilespmem:v2+s9+$0x0], $0xffff  }
0x91: {  	s13 =	sand.u32 $0xFFFF, s1;
	s17 =	smul.u32 $0xAAAB, s26;
	[tilespmem:s19+$0x6070] =	vst v12  }
0x92: {  	s0 =	simm.s32 $0x6000;
	s13 =	smul.u32 $0xAAAB, s13;
	s28 =	sshrl.u32 s14, $0x15;
	[tilespmem:s21+$0x6070] =	vst v0  }
0x93: {  	s30 =	sshrl.u32 s14, $0x18;
	s14 =	sshrl.u32 s14, $0xE;
	s17 =	sshrl.u32 s17, $0x11;
	[tilespmem:s24+$0x6030] =	vst v3  }
0x94: {  	s31 =	smul.u32 $0x1800, s30;
	s13 =	sshrl.u32 s13, $0x11;
	s17 =	sand.u32 $0x30, s17;
	[tilespmem:s22+$0x6070] =	vst v1  }
0x95: {  	s14 =	sand.u32 $0x380, s14;
	s13 =	sand.u32 $0x30, s13;
	s12 =	sadd.s32 s17, s12;
	[tilespmem:s23+$0x6030] =	vst v2  }
0x96: {  	[hbm4b:s6+s2] =	stream.linear.scatter [tilespmem:s0], [sflag:$0x2], $0x3000, $0x38;
	[tilespmem:$0xC100] =	vst v63  }
0x97: {  	s1 =	sadd.s32 s13, s1;
	s12 =	sshll.u32 s12, $0x7;
	s0 =	sor.u32 $0x8, s25  }
0x98: {  	s12 =	sand.u32 $0x1800, s12;
	_ =	swait.ge [sflag:s11], $0x3000;
	s29 =	sand.u32 $0xFFFF, s0  }
0x99: {  	s12 =	sadd.s32 s12, s31;
	[sflag:s11] =	ssyncset.done $0x0;
	s19 =	smul.u32 $0xAAAB, s29  }
0x9a: {  	s1 =	sshll.u32 s1, $0x7;
	s17 =	sor.u32 s14, s12;
	[sflag:s11] =	ssyncadd.s32 $0xFFFFD000  }
0x9b: {  	s1 =	sand.u32 $0x1C00, s1;
	s18 =	smul.u32 $0x30, s28;
	s19 =	sshrl.u32 s19, $0x15;
	v0 =	vld [tilespmem:s17+$0x3040]  }
0x9c: {  	s1 =	sadd.s32 s1, s31;
	v4 =	vld [tilespmem:s17+$0x3050];
	s20 =	smul.u32 $0x30, s19  }
0x9d: {  	s21 =	ssub.s32 $0x0, s18;
	v11 =	vld [tilespmem:s17+$0x3070];
	s19 =	sor.u32 s14, s1  }
0x9e: {  	s18 =	sshll.u32 s21, $0x7;
	v1 =	vld [tilespmem:s19+$0x3040];
	s0 =	ssub.s32 s0, s20  }
0x9f: {  	s22 =	sand.u32 $0xFF80, s18;
	v6 =	vld [tilespmem:s19+$0x3050];
	s0 =	sshll.u32 s0, $0x7  }
0xa0: {  	s23 =	sadd.s32 s22, s31;
	v13 =	vld [tilespmem:s19+$0x3060];
	s0 =	sand.u32 $0xFF80, s0  }
0xa1: {  	v15 =	vld [tilespmem:s19+$0x3070];
	s20 =	sor.u32 s14, s23;
	s0 =	sadd.s32 s0, s31  }
0xa2: {  	s25 =	simm.s32 $0x10;
	v3 =	vld [tilespmem:s20+$0x3010];
	s18 =	sadd.s32 s14, s0  }
0xa3: {  	s1 =	sor.u32 $0x4, s25;
	v2 =	vld [tilespmem:s18+$0x3010]  }
0xa4: {  	s28 =	sand.u32 $0xFFFF, s1;
	v5 =	vld [tilespmem:s20+$0x3000];
	v0 =	vmul.f32 $2.000000000e+01, v0  }
0xa5: {  	s21 =	smul.u32 $0xAAAB, s28;
	v4 =	vmul.f32 $2.000000000e+01, v4;
	v11 =	vmul.f32 $2.000000000e+01, v11  }
0xa6: {  	s26 =	smul.u32 $0xAAAB, s25;
	v14 =	vld [tilespmem:s20+$0x3030];
	v0 =	vadd.f32 $1.205000000e+02, v0;
	v1 =	vmul.f32 $2.000000000e+01, v1;
	v6 =	vmul.f32 $2.000000000e+01, v6  }
0xa7: {  	s21 =	sshrl.u32 s21, $0x11;
	v13 =	vmul.f32 $2.000000000e+01, v13;
	v11 =	vadd.f32 $1.205000000e+02, v11;
	v15 =	vmul.f32 $2.000000000e+01, v15  }
0xa8: {  	s30 =	sshrl.u32 s26, $0x15;
	s13 =	sshrl.u32 s26, $0xE;
	s21 =	sand.u32 $0x30, s21;
	v3 =	vmul.f32 $2.000000000e+01, v3;
	v8 =	vadd.f32 $1.205000000e+02, v1;
	v2 =	vmul.f32 $2.000000000e+01, v2  }
0xa9: {  	s31 =	sshrl.u32 s26, $0x18;
	s14 =	sor.u32 $0x8, s25;
	s1 =	sadd.s32 s21, s1;
	v5 =	vmul.f32 $2.000000000e+01, v5;
	v1 =	vadd.f32 $1.205000000e+02, v4;
	v4 =	vld [tilespmem:s17+$0x3060];
	v18 =	vadd.f32 $1.205000000e+02, v13  }
0xaa: {  	s26 =	smul.u32 $0x1800, s31;
	s29 =	sand.u32 $0xFFFF, s14;
	s1 =	sshll.u32 s1, $0x7;
	v12 =	vmax.f32 v0, $0.0e+00;
	v15 =	vadd.f32 $1.205000000e+02, v15;
	v2 =	vadd.f32 $1.205000000e+02, v2  }
0xab: {  	s0 =	sor.u32 $0xC, s25;
	v7 =	vld [tilespmem:s18+$0x3000];
	s22 =	smul.u32 $0xAAAB, s29;
	s1 =	sand.u32 $0x1800, s1;
	v14 =	vmul.f32 $2.000000000e+01, v14;
	v3 =	vadd.f32 $1.205000000e+02, v3;
	v5 =	vadd.f32 $1.205000000e+02, v5  }
0xac: {  	s13 =	sand.u32 $0x380, s13;
	s24 =	sand.u32 $0xFFFF, s0;
	s1 =	sadd.s32 s1, s26;
	v1 =	vmax.f32 v1, $0.0e+00;
	v8 =	vmax.f32 v8, $0.0e+00;
	v2 =	vmax.f32 v2, $0.0e+00  }
0xad: {  	v9 =	vld [tilespmem:s20+$0x3020];
	s12 =	smul.u32 $0xAAAB, s24;
	s28 =	sshrl.u32 s22, $0x15;
	s22 =	sor.u32 s13, s1;
	v10 =	vmin.f32 v1, $2.400000000e+02;
	v3 =	vmax.f32 v3, $0.0e+00;
	v2 =	vmin.f32 v2, $2.400000000e+02  }
0xae: {  	v24 =	vld [tilespmem:s22+$0x3050];
	v3 =	vmin.f32 v3, $2.400000000e+02;
	v4 =	vmul.f32 $2.000000000e+01, v4;
	v2 =	vtrunc.f32 v2  }
0xaf: {  	s12 =	sshrl.u32 s12, $0x11;
	v8 =	vmin.f32 v8, $2.400000000e+02;
	v3 =	vtrunc.f32 v3;
	v0 =	vcvt.f32.s32 v2;
	v2 =	vld [tilespmem:s18+$0x3020]  }
0xb0: {  	s12 =	sand.u32 $0x30, s12;
	v7 =	vmul.f32 $2.000000000e+01, v7;
	v1 =	vcvt.f32.s32 v3;
	v3 =	vmax.f32 v5, $0.0e+00  }
0xb1: {  	s0 =	sadd.s32 s12, s0;
	v5 =	vtrunc.f32 v10;
	v4 =	vadd.f32 $1.205000000e+02, v4;
	v10 =	vmin.f32 v3, $2.400000000e+02  }
0xb2: {  	s21 =	smul.u32 $0x30, s28;
	s0 =	sshll.u32 s0, $0x7;
	v3 =	vcvt.f32.s32 v5;
	v5 =	vadd.f32 $1.205000000e+02, v7;
	v7 =	vmul.f32 $2.000000000e+01, v9  }
0xb3: {  	s23 =	smul.u32 $0x30, s30;
	s0 =	sand.u32 $0x1C00, s0;
	v9 =	vmin.f32 v12, $2.400000000e+02;
	v24 =	vmul.f32 $2.000000000e+01, v24;
	v10 =	vtrunc.f32 v10  }
0xb4: {  	s14 =	ssub.s32 s14, s21;
	s0 =	sadd.s32 s0, s26;
	v12 =	vld [tilespmem:s18+$0x3030];
	v4 =	vmax.f32 v4, $0.0e+00;
	v9 =	vtrunc.f32 v9;
	v2 =	vmul.f32 $2.000000000e+01, v2  }
0xb5: {  	s29 =	ssub.s32 $0x10, s23;
	s14 =	sshll.u32 s14, $0x7;
	s21 =	sor.u32 s13, s0;
	v5 =	vmax.f32 v5, $0.0e+00;
	v4 =	vmin.f32 v4, $2.400000000e+02;
	v10 =	vcvt.f32.s32 v10  }
0xb6: {  	s30 =	sshll.u32 s29, $0x7;
	s31 =	sand.u32 $0xFF80, s14;
	v16 =	vld [tilespmem:s21+$0x3050];
	v9 =	vcvt.f32.s32 v9;
	v5 =	vmin.f32 v5, $2.400000000e+02;
	v2 =	vadd.f32 $1.205000000e+02, v2  }
0xb7: {  	v17 =	vld [tilespmem:s22+$0x3040];
	s0 =	sand.u32 $0xFF80, s30;
	s1 =	sadd.s32 s31, s26;
	v7 =	vadd.f32 $1.205000000e+02, v7;
	v4 =	vtrunc.f32 v4;
	v5 =	vtrunc.f32 v5  }
0xb8: {  	s0 =	sadd.s32 s0, s26;
	v20 =	vld [tilespmem:s21+$0x3040];
	s23 =	sadd.s32 s13, s1;
	v4 =	vcvt.f32.s32 v4;
	v5 =	vcvt.f32.s32 v5;
	v13 =	vmax.f32 v2, $0.0e+00  }
0xb9: {  	s24 =	sor.u32 s13, s0;
	v21 =	vld [tilespmem:s23+$0x3010];
	v2 =	vmul.f32 $2.000000000e+01, v12;
	v12 =	vadd.f32 $1.205000000e+02, v6;
	v6 =	vtrunc.f32 v8  }
0xba: {  	v25 =	vmax.f32 v7, $0.0e+00;
	v8 =	vmax.f32 v18, $0.0e+00;
	v18 =	vld [tilespmem:s24+$0x3010];
	v23 =	vcvt.f32.s32 v6  }
0xbb: {  	v22 =	vadd.f32 $1.205000000e+02, v2;
	v2 =	vmul.f32 $2.000000000e+01, v16;
	v16 =	vld.idx.msk [tilespmem:v10+s9+$0x0], $0xffff;
	v10 =	vmax.f32 v11, $0.0e+00  }
0xbc: {  	v19 =	vld [tilespmem:s24+$0x3000];
	v8 =	vmin.f32 v8, $2.400000000e+02;
	v11 =	vmul.f32 $2.000000000e+01, v17;
	v6 =	vmin.f32 v10, $2.400000000e+02  }
0xbd: {  	v17 =	vld.idx.msk [tilespmem:v9+s9+$0x0], $0xffff;
	v10 =	vmax.f32 v12, $0.0e+00;
	v12 =	vtrunc.f32 v8;
	v8 =	vmul.f32 $2.000000000e+01, v20  }
0xbe: {  	v9 =	vld.idx.msk [tilespmem:v5+s9+$0x0], $0xffff;
	v20 =	vmul.f32 $2.000000000e+01, v21;
	v21 =	vmax.f32 v15, $0.0e+00;
	v7 =	vmax.f32 v22, $0.0e+00  }
0xbf: {  	v11 =	vadd.f32 $1.205000000e+02, v11;
	v5 =	vmin.f32 v10, $2.400000000e+02;
	v10 =	vld [tilespmem:s23+$0x3000];
	v22 =	vmin.f32 v25, $2.400000000e+02  }
0xc0: {  	v26 =	vtrunc.f32 v5;
	v27 =	vmul.f32 $2.000000000e+01, v18;
	v18 =	vadd.f32 $1.205000000e+02, v14;
	v5 =	vld [tilespmem:s21+$0x3060]  }
0xc1: {  	v7 =	vmin.f32 v7, $2.400000000e+02;
	v20 =	vadd.f32 $1.205000000e+02, v20;
	v8 =	vadd.f32 $1.205000000e+02, v8;
	v15 =	vld.idx.msk [tilespmem:v23+s9+$0x0], $0xffff  }
0xc2: {  	v22 =	vtrunc.f32 v22;
	v14 =	vld [tilespmem:s22+$0x3060];
	[tilespmem:s20+$0x9000] =	vst v16;
	v23 =	vadd.f32 $1.205000000e+02, v27;
	v16 =	vcvt.f32.s32 v26  }
.LBB2_4:
0xc3: {  	s25 =	sadd.s32 $0x10, s25;
	v19 =	vmul.f32 $2.000000000e+01, v19;
	v25 =	vld.idx.msk [tilespmem:v1+s9+$0x0], $0xffff;
	[tilespmem:s17+$0x9040] =	vst v17;
	v1 =	vmin.f32 v13, $2.400000000e+02;
	v13 =	vmin.f32 v21, $2.400000000e+02  }
0xc4: {  	v22 =	vcvt.f32.s32 v22;
	s28 =	sor.u32 $0x4, s25;
	s26 =	sor.u32 $0x8, s25;
	s0 =	sor.u32 $0xC, s25;
	v17 =	vmax.f32 v23, $0.0e+00;
	v21 =	vadd.f32 $1.205000000e+02, v24;
	v3 =	vld.idx.msk [tilespmem:v3+s9+$0x0], $0xffff;
	[tilespmem:s18+$0x9000] =	vst v9  }
0xc5: {  	s1 =	sand.u32 $0xFFFF, s28;
	s12 =	sand.u32 $0xFFFF, s26;
	s13 =	sand.u32 $0xFFFF, s0;
	v19 =	vadd.f32 $1.205000000e+02, v19;
	v9 =	vmin.f32 v17, $2.400000000e+02;
	v17 =	vld.idx.msk [tilespmem:v0+s9+$0x0], $0xffff;
	v0 =	vtrunc.f32 v1  }
0xc6: {  	s14 =	smul.u32 $0xAAAB, s25;
	p0 =	slt.u32 s25, $0x2F0;
	v1 =	vtrunc.f32 v9;
	v21 =	vmax.f32 v21, $0.0e+00;
	v9 =	vld [tilespmem:s21+$0x3070];
	v23 =	vcvt.f32.s32 v0;
	[tilespmem:s19+$0x9040] =	vst v15  }
0xc7: {  	v13 =	vtrunc.f32 v13;
	s13 =	smul.u32 $0xAAAB, s13;
	v0 =	vmax.f32 v20, $0.0e+00;
	v15 =	vmin.f32 v21, $2.400000000e+02;
	v21 =	vld [tilespmem:s22+$0x3070]  }
0xc8: {  	v18 =	vmax.f32 v18, $0.0e+00;
	s29 =	sshrl.u32 s14, $0x15;
	s30 =	sshrl.u32 s14, $0x18;
	s1 =	smul.u32 $0xAAAB, s1;
	v1 =	vcvt.f32.s32 v1;
	v0 =	vmin.f32 v0, $2.400000000e+02;
	v16 =	vld.idx.msk [tilespmem:v16+s9+$0x0], $0xffff  }
0xc9: {  	v12 =	vcvt.f32.s32 v12;
	v18 =	vmin.f32 v18, $2.400000000e+02;
	s14 =	sshrl.u32 s14, $0xE;
	s31 =	smul.u32 $0x30, s29;
	s13 =	sshrl.u32 s13, $0x11;
	v0 =	vtrunc.f32 v0;
	v20 =	vld [tilespmem:s24+$0x3020];
	[tilespmem:s20+$0x9010] =	vst v25  }
0xca: {  	v11 =	vmax.f32 v11, $0.0e+00;
	v18 =	vtrunc.f32 v18;
	s29 =	sand.u32 $0x380, s14;
	s1 =	sshrl.u32 s1, $0x11;
	s13 =	sand.u32 $0x30, s13;
	v0 =	vcvt.f32.s32 v0;
	v22 =	vld.idx.msk [tilespmem:v22+s9+$0x0], $0xffff;
	[tilespmem:s17+$0x9050] =	vst v3  }
0xcb: {  	v10 =	vmul.f32 $2.000000000e+01, v10;
	s12 =	smul.u32 $0xAAAB, s12;
	v15 =	vtrunc.f32 v15;
	s1 =	sand.u32 $0x30, s1;
	s0 =	sadd.s32 s13, s0;
	v3 =	vmax.f32 v19, $0.0e+00;
	v4 =	vld.idx.msk [tilespmem:v4+s9+$0x0], $0xffff  }
0xcc: {  	v7 =	vtrunc.f32 v7;
	v14 =	vmul.f32 $2.000000000e+01, v14;
	s13 =	smul.u32 $0x1800, s30;
	s1 =	sadd.s32 s1, s28;
	s0 =	sshll.u32 s0, $0x7;
	v19 =	vmin.f32 v3, $2.400000000e+02;
	v24 =	vld [tilespmem:s23+$0x3020]  }
0xcd: {  	v6 =	vtrunc.f32 v6;
	v10 =	vadd.f32 $1.205000000e+02, v10;
	s12 =	sshrl.u32 s12, $0x15;
	s1 =	sshll.u32 s1, $0x7;
	v3 =	vcvt.f32.s32 v15;
	s0 =	sand.u32 $0x1C00, s0;
	v25 =	vld [tilespmem:s24+$0x3030];
	[tilespmem:s18+$0x9010] =	vst v17  }
0xce: {  	v11 =	vmin.f32 v11, $2.400000000e+02;
	s12 =	smul.u32 $0x30, s12;
	s1 =	sand.u32 $0x1800, s1;
	s0 =	sadd.s32 s0, s13;
	v17 =	vcvt.f32.s32 v18;
	v15 =	vmul.f32 $2.000000000e+01, v20;
	v18 =	vld.idx.msk [tilespmem:v23+s9+$0x0], $0xffff;
	[tilespmem:s19+$0x9050] =	vst v16  }
0xcf: {  	v8 =	vmax.f32 v8, $0.0e+00;
	v13 =	vcvt.f32.s32 v13;
	s14 =	ssub.s32 s25, s31;
	s1 =	sadd.s32 s1, s13;
	v16 =	vmul.f32 $2.000000000e+01, v21;
	v12 =	vld.idx.msk [tilespmem:v12+s9+$0x0], $0xffff  }
0xd0: {  	v7 =	vcvt.f32.s32 v7;
	v14 =	vadd.f32 $1.205000000e+02, v14;
	s14 =	sshll.u32 s14, $0x7;
	v19 =	vtrunc.f32 v19;
	s28 =	sor.u32 s29, s1;
	s1 =	ssub.s32 s26, s12;
	v20 =	vld [tilespmem:s23+$0x3030];
	[tilespmem:s20+$0x9020] =	vst v22  }
0xd1: {  	v6 =	vcvt.f32.s32 v6;
	v10 =	vmax.f32 v10, $0.0e+00;
	s12 =	sand.u32 $0xFF80, s14;
	s26 =	sor.u32 s29, s0;
	s1 =	sshll.u32 s1, $0x7;
	v21 =	vld [tilespmem:s28+$0x3040];
	v22 =	vmul.f32 $2.000000000e+01, v24;
	[tilespmem:s17+$0x9060] =	vst v4  }
0xd2: {  	v5 =	vmul.f32 $2.000000000e+01, v5;
	v10 =	vmin.f32 v10, $2.400000000e+02;
	s0 =	sadd.s32 s12, s13;
	s1 =	sand.u32 $0xFF80, s1;
	v4 =	vmax.f32 v14, $0.0e+00;
	v23 =	vld [tilespmem:s26+$0x3040]  }
0xd3: {  	v11 =	vtrunc.f32 v11;
	s0 =	sor.u32 s29, s0;
	s1 =	sadd.s32 s1, s13;
	v24 =	vmul.f32 $2.000000000e+01, v25;
	v4 =	vmin.f32 v4, $2.400000000e+02;
	v14 =	vld [tilespmem:s26+$0x3050]  }
0xd4: {  	v19 =	vcvt.f32.s32 v19;
	s29 =	sadd.s32 s29, s1;
	v4 =	vtrunc.f32 v4;
	v22 =	vadd.f32 $1.205000000e+02, v22;
	v17 =	vld.idx.msk [tilespmem:v17+s9+$0x0], $0xffff;
	[tilespmem:s18+$0x9020] =	vst v18  }
0xd5: {  	v8 =	vmin.f32 v8, $2.400000000e+02;
	v11 =	vcvt.f32.s32 v11;
	v4 =	vcvt.f32.s32 v4;
	v18 =	vld [tilespmem:s29+$0x3010];
	[tilespmem:s19+$0x9060] =	vst v12  }
0xd6: {  	v5 =	vadd.f32 $1.205000000e+02, v5;
	v10 =	vtrunc.f32 v10;
	v12 =	vadd.f32 $1.205000000e+02, v16;
	v16 =	vld.idx.msk [tilespmem:v13+s9+$0x0], $0xffff  }
0xd7: {  	v20 =	vmul.f32 $2.000000000e+01, v20;
	v13 =	vmax.f32 v22, $0.0e+00;
	v22 =	vadd.f32 $1.205000000e+02, v2;
	v25 =	vld.idx.msk [tilespmem:v6+s9+$0x0], $0xffff  }
0xd8: {  	v5 =	vmax.f32 v5, $0.0e+00;
	v10 =	vcvt.f32.s32 v10;
	v6 =	vtrunc.f32 v8;
	v8 =	vld.idx.msk [tilespmem:v7+s9+$0x0], $0xffff  }
0xd9: {  	v9 =	vmul.f32 $2.000000000e+01, v9;
	v7 =	vadd.f32 $1.205000000e+02, v15;
	v15 =	vadd.f32 $1.205000000e+02, v20;
	v26 =	vld [tilespmem:s0+$0x3010]  }
0xda: {  	v12 =	vmax.f32 v12, $0.0e+00;
	v2 =	vmul.f32 $2.000000000e+01, v14;
	v20 =	vcvt.f32.s32 v6;
	v14 =	vld.idx.msk [tilespmem:v19+s9+$0x0], $0xffff;
	[tilespmem:s20+$0x9030] =	vst v17;
	s20 =	smov.u32 s24;
	s24 =	smov.u32 s0  }
0xdb: {  	v21 =	vmul.f32 $2.000000000e+01, v21;
	v6 =	vmin.f32 v12, $2.400000000e+02;
	v28 =	vmax.f32 v7, $0.0e+00;
	v27 =	vld [tilespmem:s28+$0x3050]  }
0xdc: {  	v5 =	vmin.f32 v5, $2.400000000e+02;
	v7 =	vmax.f32 v15, $0.0e+00;
	v15 =	vadd.f32 $1.205000000e+02, v9;
	v19 =	vld [tilespmem:s24+$0x3000];
	[tilespmem:s19+$0x9070] =	vst v16;
	s19 =	smov.u32 s21;
	s21 =	smov.u32 s26  }
0xdd: {  	v12 =	vtrunc.f32 v5;
	v7 =	vmin.f32 v7, $2.400000000e+02;
	v16 =	vmax.f32 v22, $0.0e+00;
	v17 =	vld.idx.msk [tilespmem:v11+s9+$0x0], $0xffff;
	[tilespmem:s17+$0x9070] =	vst v25;
	s17 =	smov.u32 s22;
	s22 =	smov.u32 s28  }
.Ltmp1:
0xde: {  	v5 =	vmul.f32 $2.000000000e+01, v23;
	v11 =	vadd.f32 $1.205000000e+02, v21;
	v16 =	vmin.f32 v16, $2.400000000e+02;
	v9 =	vld.idx.msk [tilespmem:v10+s9+$0x0], $0xffff;
	[tilespmem:s18+$0x9030] =	vst v8;
	s18 =	smov.u32 s23;
	s23 =	smov.u32 s29;
	(pc) =	sbr.rel @p0 .LBB2_4-.Ltmp1, $4  }
0xdf: {  	v21 =	vmax.f32 v15, $0.0e+00;
	v8 =	vmul.f32 $2.000000000e+01, v18;
	v16 =	vtrunc.f32 v16;
	v10 =	vld [tilespmem:s23+$0x3000]  }
0xe0: {  	v23 =	vmul.f32 $2.000000000e+01, v26;
	v18 =	vadd.f32 $1.205000000e+02, v24;
	[tilespmem:s20+$0x9000] =	vst v14;
	v14 =	vmin.f32 v28, $2.400000000e+02;
	v15 =	vld.idx.msk [tilespmem:v20+s9+$0x0], $0xffff  }
0xe1: {  	v20 =	vadd.f32 $1.205000000e+02, v8;
	v8 =	vadd.f32 $1.205000000e+02, v5;
	v5 =	vld [tilespmem:s21+$0x3060];
	v22 =	vtrunc.f32 v14  }
0xe2: {  	v16 =	vcvt.f32.s32 v16;
	v23 =	vadd.f32 $1.205000000e+02, v23;
	v24 =	vmul.f32 $2.000000000e+01, v27;
	v14 =	vld [tilespmem:s22+$0x3060]  }
0xe3: {  	v19 =	vmul.f32 $2.000000000e+01, v19;
	v13 =	vmin.f32 v13, $2.400000000e+02  }
0xe4: {  	v21 =	vmin.f32 v21, $2.400000000e+02;
	v22 =	vcvt.f32.s32 v22;
	v20 =	vmax.f32 v20, $0.0e+00  }
0xe5: {  	v18 =	vmax.f32 v18, $0.0e+00;
	v12 =	vcvt.f32.s32 v12;
	v11 =	vmax.f32 v11, $0.0e+00  }
0xe6: {  	v7 =	vtrunc.f32 v7;
	v6 =	vtrunc.f32 v6;
	v8 =	vmax.f32 v8, $0.0e+00  }
0xe7: {  	v2 =	vadd.f32 $1.205000000e+02, v2;
	v23 =	vmax.f32 v23, $0.0e+00;
	v24 =	vadd.f32 $1.205000000e+02, v24  }
0xe8: {  	v13 =	vtrunc.f32 v13;
	v21 =	vtrunc.f32 v21;
	v20 =	vmin.f32 v20, $2.400000000e+02  }
0xe9: {  	v18 =	vmin.f32 v18, $2.400000000e+02;
	v10 =	vmul.f32 $2.000000000e+01, v10;
	v11 =	vmin.f32 v11, $2.400000000e+02  }
0xea: {  	v8 =	vmin.f32 v8, $2.400000000e+02;
	v7 =	vcvt.f32.s32 v7;
	v6 =	vcvt.f32.s32 v6  }
0xeb: {  	v25 =	vld [tilespmem:s24+$0x3020];
	v23 =	vmin.f32 v23, $2.400000000e+02;
	v13 =	vcvt.f32.s32 v13;
	v20 =	vtrunc.f32 v20  }
0xec: {  	v26 =	vld [tilespmem:s22+$0x3070];
	v19 =	vadd.f32 $1.205000000e+02, v19;
	v18 =	vtrunc.f32 v18;
	v8 =	vtrunc.f32 v8  }
0xed: {  	v1 =	vld.idx.msk [tilespmem:v1+s9+$0x0], $0xffff;
	v43 =	vtrunc.f32 v11;
	v21 =	vcvt.f32.s32 v21;
	v2 =	vmax.f32 v2, $0.0e+00  }
0xee: {  	v39 =	vld [tilespmem:s21+$0x3070];
	v23 =	vtrunc.f32 v23;
	v24 =	vmax.f32 v24, $0.0e+00;
	v20 =	vcvt.f32.s32 v20  }
0xef: {  	[tilespmem:s17+$0x9040] =	vst v17;
	v41 =	vld [tilespmem:s23+$0x3020];
	v37 =	vadd.f32 $1.205000000e+02, v10;
	v18 =	vcvt.f32.s32 v18;
	v8 =	vcvt.f32.s32 v8  }
0xf0: {  	v3 =	vld.idx.msk [tilespmem:v3+s9+$0x0], $0xffff;
	v5 =	vmul.f32 $2.000000000e+01, v5;
	v23 =	vcvt.f32.s32 v23;
	v19 =	vmax.f32 v19, $0.0e+00  }
0xf1: {  	[tilespmem:s18+$0x9000] =	vst v9;
	v45 =	vld [tilespmem:s24+$0x3030];
	v14 =	vmul.f32 $2.000000000e+01, v14;
	v35 =	vmin.f32 v19, $2.400000000e+02;
	v9 =	vmax.f32 v37, $0.0e+00  }
0xf2: {  	v46 =	vld [tilespmem:s23+$0x3030];
	[tilespmem:s19+$0x9040] =	vst v15;
	v17 =	vtrunc.f32 v35;
	v42 =	vmin.f32 v9, $2.400000000e+02;
	v9 =	vcvt.f32.s32 v43  }
0xf3: {  	v0 =	vld.idx.msk [tilespmem:v0+s9+$0x0], $0xffff;
	v2 =	vmin.f32 v2, $2.400000000e+02;
	[tilespmem:s20+$0x9010] =	vst v1;
	v17 =	vcvt.f32.s32 v17;
	v1 =	vtrunc.f32 v42  }
0xf4: {  	v16 =	vld.idx.msk [tilespmem:v16+s9+$0x0], $0xffff;
	v24 =	vmin.f32 v24, $2.400000000e+02;
	v2 =	vtrunc.f32 v2;
	v1 =	vcvt.f32.s32 v1  }
0xf5: {  	v24 =	vtrunc.f32 v24;
	v38 =	vmul.f32 $2.000000000e+01, v25;
	v44 =	vld.idx.msk [tilespmem:v22+s9+$0x0], $0xffff;
	[tilespmem:s17+$0x9050] =	vst v3  }
0xf6: {  	v40 =	vmul.f32 $2.000000000e+01, v26;
	v15 =	vmul.f32 $2.000000000e+01, v41;
	v4 =	vld.idx.msk [tilespmem:v4+s9+$0x0], $0xffff  }
0xf7: {  	v2 =	vcvt.f32.s32 v2;
	v5 =	vadd.f32 $1.205000000e+02, v5;
	v49 =	vmul.f32 $2.000000000e+01, v46;
	v8 =	vld.idx.msk [tilespmem:v8+s9+$0x0], $0xffff  }
0xf8: {  	v50 =	vmul.f32 $2.000000000e+01, v39;
	v36 =	vcvt.f32.s32 v24;
	v14 =	vadd.f32 $1.205000000e+02, v14;
	[tilespmem:s18+$0x9010] =	vst v0;
	v9 =	vld.idx.msk [tilespmem:v9+s9+$0x0], $0xffff  }
0xf9: {  	v3 =	vmul.f32 $2.000000000e+01, v45;
	v10 =	vadd.f32 $1.205000000e+02, v38;
	v48 =	vadd.f32 $1.205000000e+02, v15;
	[tilespmem:s19+$0x9050] =	vst v16;
	v17 =	vld.idx.msk [tilespmem:v17+s9+$0x0], $0xffff  }
0xfa: {  	v5 =	vmax.f32 v5, $0.0e+00;
	v54 =	vadd.f32 $1.205000000e+02, v50;
	v14 =	vmax.f32 v14, $0.0e+00;
	[tilespmem:s20+$0x9020] =	vst v44;
	v1 =	vld.idx.msk [tilespmem:v1+s9+$0x0], $0xffff  }
0xfb: {  	v13 =	vld.idx.msk [tilespmem:v13+s9+$0x0], $0xffff;
	v5 =	vmin.f32 v5, $2.400000000e+02;
	v3 =	vadd.f32 $1.205000000e+02, v3;
	v47 =	vmin.f32 v14, $2.400000000e+02;
	[tilespmem:s17+$0x9060] =	vst v4  }
0xfc: {  	v10 =	vmax.f32 v10, $0.0e+00;
	v12 =	vld.idx.msk [tilespmem:v12+s9+$0x0], $0xffff;
	v11 =	vmax.f32 v48, $0.0e+00;
	v5 =	vtrunc.f32 v5;
	[tilespmem:s21+$0x9040] =	vst v8  }
0xfd: {  	v0 =	vtrunc.f32 v47;
	v10 =	vmin.f32 v10, $2.400000000e+02;
	v5 =	vcvt.f32.s32 v5;
	v2 =	vld.idx.msk [tilespmem:v2+s9+$0x0], $0xffff;
	[tilespmem:s22+$0x9040] =	vst v9  }
0xfe: {  	v52 =	vmin.f32 v11, $2.400000000e+02;
	v0 =	vcvt.f32.s32 v0;
	v10 =	vtrunc.f32 v10;
	[tilespmem:s24+$0x9000] =	vst v17;
	v55 =	vld.idx.msk [tilespmem:v36+s9+$0x0], $0xffff  }
0xff: {  	v53 =	vadd.f32 $1.205000000e+02, v40;
	v56 =	vtrunc.f32 v52;
	v10 =	vcvt.f32.s32 v10;
	v51 =	vld.idx.msk [tilespmem:v23+s9+$0x0], $0xffff;
	[tilespmem:s23+$0x9000] =	vst v1  }
0x100: {  	v3 =	vmax.f32 v3, $0.0e+00;
	v11 =	vmax.f32 v54, $0.0e+00;
	[tilespmem:s18+$0x9020] =	vst v13;
	v1 =	vcvt.f32.s32 v56;
	v57 =	vld.idx.msk [tilespmem:v20+s9+$0x0], $0xffff  }
0x101: {  	v11 =	vmin.f32 v11, $2.400000000e+02;
	v4 =	vadd.f32 $1.205000000e+02, v49;
	v58 =	vld.idx.msk [tilespmem:v18+s9+$0x0], $0xffff;
	[tilespmem:s19+$0x9060] =	vst v12;
	v9 =	vmax.f32 v53, $0.0e+00  }
0x102: {  	v3 =	vmin.f32 v3, $2.400000000e+02;
	v11 =	vtrunc.f32 v11;
	v6 =	vld.idx.msk [tilespmem:v6+s9+$0x0], $0xffff;
	v9 =	vmin.f32 v9, $2.400000000e+02;
	[tilespmem:s21+$0x9050] =	vst v2  }
0x103: {  	v61 =	vcvt.f32.s32 v11;
	v4 =	vmax.f32 v4, $0.0e+00;
	v60 =	vtrunc.f32 v9;
	v5 =	vld.idx.msk [tilespmem:v5+s9+$0x0], $0xffff;
	[tilespmem:s22+$0x9050] =	vst v55  }
0x104: {  	v3 =	vtrunc.f32 v3;
	v59 =	vmin.f32 v4, $2.400000000e+02;
	v4 =	vcvt.f32.s32 v60;
	[tilespmem:s24+$0x9010] =	vst v51;
	v0 =	vld.idx.msk [tilespmem:v0+s9+$0x0], $0xffff  }
0x105: {  	v3 =	vcvt.f32.s32 v3;
	v2 =	vtrunc.f32 v59;
	v10 =	vld.idx.msk [tilespmem:v10+s9+$0x0], $0xffff;
	[tilespmem:s23+$0x9010] =	vst v57  }
0x106: {  	[tilespmem:s20+$0x9030] =	vst v58;
	v2 =	vcvt.f32.s32 v2;
	v1 =	vld.idx.msk [tilespmem:v1+s9+$0x0], $0xffff  }
0x107: {  	v7 =	vld.idx.msk [tilespmem:v7+s9+$0x0], $0xffff;
	[tilespmem:s17+$0x9070] =	vst v6  }
0x108: {  	v12 =	vld.idx.msk [tilespmem:v21+s9+$0x0], $0xffff;
	[tilespmem:s21+$0x9060] =	vst v5  }
0x109: {  	v62 =	vld.idx.msk [tilespmem:v61+s9+$0x0], $0xffff;
	[tilespmem:s22+$0x9060] =	vst v0  }
0x10a: {  	[tilespmem:s24+$0x9020] =	vst v10;
	v63 =	vld.idx.msk [tilespmem:v4+s9+$0x0], $0xffff  }
0x10b: {  	v3 =	vld.idx.msk [tilespmem:v3+s9+$0x0], $0xffff;
	[tilespmem:s23+$0x9020] =	vst v1  }
0x10c: {  	[tilespmem:s18+$0x9030] =	vst v7;
	v2 =	vld.idx.msk [tilespmem:v2+s9+$0x0], $0xffff  }
0x10d: {  	[tilespmem:s19+$0x9070] =	vst v12  }
0x10e: {  	[tilespmem:s21+$0x9070] =	vst v62  }
0x10f: {  	[tilespmem:s22+$0x9070] =	vst v63  }
0x110: {  	[tilespmem:s24+$0x9030] =	vst v3  }
0x111: {  	s0 =	simm.s32 $0x9000;
	s16 =	sadd.s32 $0x1, s16;
	[tilespmem:s23+$0x9030] =	vst v2  }
0x112: {  	[hbm4b:s7+s2] =	stream.linear.scatter [tilespmem:s0], [sflag:$0x2], $0x3000, $0x38;
	[tilespmem:$0xC100] =	vst v63  }
0x113: {  	p0 =	sne.s32 s16, s8;
	_ =	swait.ge [sflag:s15], $0x3000  }
.Ltmp2:
0x114: {  	[sflag:s15] =	ssyncset.done $0x0;
	(pc) =	sbr.rel @p0 .LBB2_1-.Ltmp2, $4  }
0x115: {  	[sflag:s15] =	ssyncadd.s32 $0xFFFFD000  }
0x116: {  	_ =	swait.ge [sflag:s15], $0x3000  }
0x117: {  	[sflag:s15] =	ssyncset.done $0x0  }
0x118: {  	[sflag:s15] =	ssyncadd.s32 $0xFFFFD000  }
0x119: {  	_ =	sfence.sel $0x180000  }
0x11a: {  	[bflag:$0x0] =	sbarrier.arrive $0xFFFF  }
0x11b: {  	_ =	strace $0x90000047  }
0x11c: {  	s0 =	stileid.u32;
	[bflag:$0x2] =	sbarrier.arrive $0xFFFF  }
0x11d: {  	p0 =	sne.s32 s0, $0x0;
	s0 =	rddreg [dreg:$0x3]  }
0x11e: {  	s0 =	sadd.s32 @!p0 $0x100000, s0  }
0x11f: {  	[sflag:s0] =	ssyncadd.tile.s32 @!p0 $0x1;
	_ =	shalt  }
.Lfunc_end2:
_tile_overlayer_lowered:
.L_overlay_start_2:
0x120: {  	(tag) =	ssettag $0x2  }
0x121: {  	s0 =	rddreg [dreg:$0x0];
	s2 =	stileid.u32  }
0x122: {  	s1 =	rddreg [dreg:$0x1];
	p0 =	sne.s32 s2, $0x0  }
0x123: {  	s3 =	rddreg [dreg:$0x2];
	[bflag:$0x3] =	sbarrier.arrive $0xFFFF;
	s2 =	simm.s32 @!p0 $0x1C03  }
0x124: {  	[timem:s3], [sflag:s2] =	dma.local @!p0 [hbm:s0], s1  }
0x125: {  	s0 =	simm.s32 @!p0 $0x3  }
0x126: {  	_ =	swait.ge @!p0 [sflag:s0], s1  }
0x127: {  	s1 =	ssub.s32 @!p0 $0x0, s1;
	[sflag:s0] =	ssyncset.done @!p0 $0x0  }
0x128: {  	[sflag:s0] =	ssyncadd.s32 @!p0 s1  }
0x129: {  	[bflag:$0x3] =	sbarrier.arrive $0xFFFF  }
0x12a: {  	_ =	shalt  }

</sc_bundles>
